<compile_context>
chip_gen: v7x
topology: tpu7x:2x2x1
jax: 0.10.2.dev20260603
libtpu: 0.0.44.dev20260713+nightly
codegen_flags: <defaults>
</compile_context>

<pallas_src>
import functools
import numpy as np
import jax
import jax.numpy as jnp
from jax.experimental import pallas as pl
from jax.experimental.pallas import tpu as pltpu
from jax.experimental.pallas import tpu_sc as plsc

_THRESH = float(-np.log(0.7))
_NMIN_FRAC = 0.1
_IGNORE = 255

_BH = 64


def _ce_loss_tile(z_ref, lab_ref):
    C = z_ref.shape[1]
    lab = lab_ref[0]
    m = z_ref[0, 0]
    for c in range(1, C):
        m = jnp.maximum(m, z_ref[0, c])
    s = jnp.zeros_like(m)
    picked = jnp.zeros_like(m)
    for c in range(C):
        zc = z_ref[0, c]
        s = s + jnp.exp(zc - m)
        picked = jnp.where(lab == c, zc, picked)
    loss = m + jnp.log(s) - picked
    return jnp.where(lab == _IGNORE, 0.0, loss)


def _ce_stats_body(z_ref, lab_ref, out_ref):
    loss = _ce_loss_tile(z_ref, lab_ref)
    mask = loss > _THRESH
    c = jnp.sum(mask.astype(jnp.float32))
    sm = jnp.sum(jnp.where(mask, loss, 0.0))
    first = (pl.program_id(0) == 0) & (pl.program_id(1) == 0)

    @pl.when(first)
    def _():
        out_ref[0] = 0.0
        out_ref[1] = 0.0

    out_ref[0] += c
    out_ref[1] += sm


def _ce_loss_body(z_ref, lab_ref, out_ref):
    out_ref[0] = _ce_loss_tile(z_ref, lab_ref)



_SC_NC = 2
_SC_NS = 16
_SC_NW = _SC_NC * _SC_NS
_SC_L = 16


@functools.cache
def _make_sc_countsum(n):
    per_w = n // _SC_NW
    steps = per_w // _SC_L
    mesh = plsc.VectorSubcoreMesh(core_axis_name="c", subcore_axis_name="s")

    @functools.partial(
        pl.kernel,
        mesh=mesh,
        out_type=jax.ShapeDtypeStruct((2, _SC_NW, _SC_L), jnp.float32),
        scratch_types=[
            pltpu.VMEM((per_w,), jnp.float32),
            pltpu.VMEM((_SC_L,), jnp.float32),
        ],
    )
    def countsum(loss_hbm, t_hbm, out_hbm, chunk, vec):
        cid = jax.lax.axis_index("c")
        sid = jax.lax.axis_index("s")
        wid = sid * _SC_NC + cid
        pltpu.sync_copy(loss_hbm.at[pl.ds(wid * per_w, per_w)], chunk)
        pltpu.sync_copy(t_hbm, vec)
        t = vec[...]
        thr = jnp.full((_SC_L,), _THRESH, jnp.float32)
        zero = jnp.zeros((_SC_L,), jnp.float32)
        one = jnp.full((_SC_L,), 1.0, jnp.float32)

        def body(i, carry):
            c_acc, s_acc = carry
            x = chunk[pl.ds(i * _SC_L, _SC_L)]
            keep = (x <= thr) & (x > t)
            return (
                c_acc + jnp.where(keep, one, zero),
                s_acc + jnp.where(keep, x, zero),
            )

        c_acc, s_acc = jax.lax.fori_loop(0, steps, body, (zero, zero))
        vec[...] = c_acc
        pltpu.sync_copy(vec, out_hbm.at[0, wid])
        vec[...] = s_acc
        pltpu.sync_copy(vec, out_hbm.at[1, wid])

    return countsum


def _run_ce_stats(logits, labels):
    B, C, H, W = logits.shape
    return pl.pallas_call(
        _ce_stats_body,
        grid=(B, H // _BH),
        in_specs=[
            pl.BlockSpec((1, C, _BH, W), lambda b, h: (b, 0, h, 0)),
            pl.BlockSpec((1, _BH, W), lambda b, h: (b, h, 0)),
        ],
        out_specs=pl.BlockSpec(memory_space=pltpu.SMEM),
        out_shape=jax.ShapeDtypeStruct((2,), jnp.float32),
        compiler_params=pltpu.CompilerParams(
            dimension_semantics=("arbitrary", "arbitrary")
        ),
    )(logits, labels)


def _topk_mean(logits, labels, cnt, ssum, n_min):
    B, C, H, W = logits.shape
    loss = pl.pallas_call(
        _ce_loss_body,
        grid=(B, H // _BH),
        in_specs=[
            pl.BlockSpec((1, C, _BH, W), lambda b, h: (b, 0, h, 0)),
            pl.BlockSpec((1, _BH, W), lambda b, h: (b, h, 0)),
        ],
        out_specs=pl.BlockSpec((1, _BH, W), lambda b, h: (b, h, 0)),
        out_shape=jax.ShapeDtypeStruct((B, H, W), jnp.float32),
        compiler_params=pltpu.CompilerParams(
            dimension_semantics=("arbitrary", "arbitrary")
        ),
    )(logits, labels)
    loss_flat = loss.reshape(B * H * W)
    kp = jnp.float32(n_min) - cnt
    countsum = _make_sc_countsum(B * H * W)

    def it(_, carry):
        lo, hi = carry
        mid = 0.5 * (lo + hi)
        part = countsum(loss_flat, jnp.broadcast_to(mid, (_SC_L,)))
        f = jnp.sum(part[0])
        gt = f > kp
        return jnp.where(gt, mid, lo), jnp.where(gt, hi, mid)

    _, hi = jax.lax.fori_loop(
        0, 50, it, (jnp.float32(-1.0), jnp.float32(_THRESH))
    )
    part = countsum(loss_flat, jnp.broadcast_to(hi, (_SC_L,)))
    fhi = jnp.sum(part[0])
    shi = jnp.sum(part[1])
    rest = shi + (kp - fhi) * hi
    return (ssum + rest) / jnp.float32(n_min)


def kernel(logits, labels):
    B, C, H, W = logits.shape
    labels = labels.astype(jnp.int32)
    n = B * H * W
    n_min = int(_NMIN_FRAC * n)
    stats = _run_ce_stats(logits, labels)
    cnt, ssum = stats[0], stats[1]
    mean_thresh = ssum / jnp.maximum(cnt, 1.0)
    return jax.lax.cond(
        cnt > jnp.float32(n_min),
        lambda: mean_thresh,
        lambda: _topk_mean(logits, labels, cnt, ssum, n_min),
    )

# --- scband reference (transcript-rebuilt; emitter-appended) ---
"""Pipeline reference for scband-ohem-celoss-3813930959413 (READ-ONLY COPY).

The authoritative reference and input builder live on the scoring server;
editing this copy changes nothing except your own understanding.
"""

import jax, jax.numpy as jnp
import numpy as np

THRESH = float(-np.log(0.7))
N_MIN_FRAC = 0.1
IGNORE = 255


def setup_inputs(seed: int = 0) -> dict:
    key = jax.random.key(seed)
    k1, k2 = jax.random.split(key)
    logits = jax.random.normal(k1, (8, 19, 512, 512), dtype=jnp.float32)
    labels = jax.random.randint(k2, (8, 512, 512), 0, 19).astype(jnp.int64)
    return {"logits": logits, "labels": labels}


def _per_pixel_ce(logits, labels):
    # Equivalent of nn.CrossEntropyLoss(ignore_index=255, reduction='none')
    B, C, H, W = logits.shape
    lp = jax.nn.log_softmax(logits, axis=1)
    lp = jnp.transpose(lp, (0, 2, 3, 1)).reshape(-1, C)
    lab = labels.reshape(-1)
    valid = lab != IGNORE
    lab_safe = jnp.where(valid, lab, 0)
    picked = jnp.take_along_axis(lp, lab_safe[:, None].astype(jnp.int32), axis=1)[:, 0]
    return jnp.where(valid, -picked, 0.0)


def reference(logits, labels):
    loss = _per_pixel_ce(logits, labels)
    # sort descending
    sl = jnp.sort(loss)[::-1]
    n = sl.shape[0]
    n_min = int(N_MIN_FRAC * n)
    # branch 1: keep losses above threshold (static-shape masked mean)
    mask = sl > THRESH
    cnt = jnp.maximum(jnp.sum(mask), 1)
    mean_thresh = jnp.sum(jnp.where(mask, sl, 0.0)) / cnt.astype(sl.dtype)
    # branch 2: keep top n_min losses
    mean_topk = jnp.mean(sl[:n_min])
    return jnp.where(sl[n_min] > THRESH, mean_thresh, mean_topk)

if __name__ == "__main__":
    import jax
    _d = setup_inputs()
    print(jax.jit(kernel)(*tuple(_d.values())))

</pallas_src>

<mosaic_0001>
#map = affine_map<(d0, d1) -> (0)>
#map1 = affine_map<(d0, d1) -> (0, 0, 0)>
module attributes {stable_mosaic.version = 14 : i64} {
  func.func @countsum(%arg0: i32, %arg1: i32, %arg2: memref<2097152xf32, #tpu.memory_space<hbm>>, %arg3: memref<16xf32, #tpu.memory_space<hbm>>, %arg4: memref<2x32x16xf32, #tpu.memory_space<hbm>>, %arg5: memref<65536xf32, #tpu.memory_space<vmem>>, %arg6: memref<16xf32, #tpu.memory_space<vmem>>) attributes {dimension_semantics = [#tpu.dimension_semantics<core_parallel>, #tpu.dimension_semantics<subcore_parallel>], iteration_bounds = array<i64: 2, 16>, scalar_prefetch = 0 : i64, scratch_operands = 2 : i64, tpu.core_type = #tpu.core_type<sc_vector_subcore>, window_params = [{transform_indices = #map}, {transform_indices = #map}, {transform_indices = #map1}]} {
    %mul3A = arith.constant 2 : i32
    %mul3A_0 = arith.muli %arg1, %mul3A : i32
    %add3A = arith.addi %mul3A_0, %arg0 : i32
    %mul3A_1 = arith.constant 65536 : i32
    %mul3A_2 = arith.muli %add3A, %mul3A_1 : i32
    "tpu.region"() ({
      %run_scoped3A_23 = tpu.sem_alloc : memref<!tpu.dma_semaphore, #tpu.memory_space<semaphore_mem>>
      %dma_start3A = tpu.memref_slice %arg2[%mul3A_2] : memref<2097152xf32, #tpu.memory_space<hbm>> -> memref<65536xf32, #tpu.memory_space<hbm>>
      %dma_start3A_24 = tpu.memref_slice %arg2[%mul3A_2] : memref<2097152xf32, #tpu.memory_space<hbm>> -> memref<65536xf32, #tpu.memory_space<hbm>>
      tpu.enqueue_dma source(%dma_start3A_24 : memref<65536xf32, #tpu.memory_space<hbm>>) target(%arg5 : memref<65536xf32, #tpu.memory_space<vmem>>) target_semaphore(%run_scoped3A_23 : memref<!tpu.dma_semaphore, #tpu.memory_space<semaphore_mem>>)
      %dma_wait3A = tpu.memref_slice %arg2[%mul3A_2] : memref<2097152xf32, #tpu.memory_space<hbm>> -> memref<65536xf32, #tpu.memory_space<hbm>>
      %dma_wait3A_25 = tpu.memref_slice %arg2[%mul3A_2] : memref<2097152xf32, #tpu.memory_space<hbm>> -> memref<65536xf32, #tpu.memory_space<hbm>>
      tpu.wait_dma2 semaphore(%run_scoped3A_23 : memref<!tpu.dma_semaphore, #tpu.memory_space<semaphore_mem>>) src(%dma_wait3A_25 : memref<65536xf32, #tpu.memory_space<hbm>>) dst(%arg5 : memref<65536xf32, #tpu.memory_space<vmem>>)
      tpu.yield
    }) : () -> ()
    "tpu.region"() ({
      %run_scoped3A_23 = tpu.sem_alloc : memref<!tpu.dma_semaphore, #tpu.memory_space<semaphore_mem>>
      tpu.enqueue_dma source(%arg3 : memref<16xf32, #tpu.memory_space<hbm>>) target(%arg6 : memref<16xf32, #tpu.memory_space<vmem>>) target_semaphore(%run_scoped3A_23 : memref<!tpu.dma_semaphore, #tpu.memory_space<semaphore_mem>>)
      tpu.wait_dma2 semaphore(%run_scoped3A_23 : memref<!tpu.dma_semaphore, #tpu.memory_space<semaphore_mem>>) src(%arg3 : memref<16xf32, #tpu.memory_space<hbm>>) dst(%arg6 : memref<16xf32, #tpu.memory_space<vmem>>)
      tpu.yield
    }) : () -> ()
    %get3A = arith.constant 0 : index
    %get3A_3 = tpu.vector_load %arg6[%get3A] {strides = array<i32>} : memref<16xf32, #tpu.memory_space<vmem>>, vector<16xf32>,
    %get3A_4 = vector.shape_cast %get3A_3 : vector<16xf32> to vector<16xf32>
    %broadcast_in_dim3A = arith.constant 0.356674939 : f32
    %broadcast_in_dim3A_5 = vector.broadcast %broadcast_in_dim3A : f32 to vector<16xf32>
    %broadcast_in_dim3A_6 = arith.constant 0.000000e+00 : f32
    %broadcast_in_dim3A_7 = vector.broadcast %broadcast_in_dim3A_6 : f32 to vector<16xf32>
    %broadcast_in_dim3A_8 = arith.constant 1.000000e+00 : f32
    %broadcast_in_dim3A_9 = vector.broadcast %broadcast_in_dim3A_8 : f32 to vector<16xf32>
    %scan3A = arith.constant 0 : i32
    %scan3A_10 = arith.constant 4096 : i32
    %scan3A_11 = arith.addi %scan3A, %scan3A_10 : i32
    %scan3A_12 = arith.constant 1 : i32
    %scan3A_13:2 = scf.for %scan3A_23 = %scan3A to %scan3A_11 step %scan3A_12 iter_args(%scan3A_24 = %broadcast_in_dim3A_7, %scan3A_25 = %broadcast_in_dim3A_7) -> (vector<16xf32>, vector<16xf32>)  : i32 {
      %mul3A_26 = arith.constant 16 : i32
      %mul3A_27 = arith.muli %scan3A_23, %mul3A_26 : i32
      %get3A_28 = arith.index_cast %mul3A_27 : i32 to index
      %get3A_29 = tpu.vector_load %arg5[%get3A_28] {strides = array<i32>} : memref<65536xf32, #tpu.memory_space<vmem>>, vector<16xf32>,
      %get3A_30 = vector.shape_cast %get3A_29 : vector<16xf32> to vector<16xf32>
      %le3A = arith.cmpf ole, %get3A_30, %broadcast_in_dim3A_5 : vector<16xf32>
      %gt3A = arith.cmpf ogt, %get3A_30, %get3A_4 : vector<16xf32>
      %and3A = arith.andi %le3A, %gt3A : vector<16xi1>
      %select_n3A = arith.select %and3A, %broadcast_in_dim3A_9, %broadcast_in_dim3A_7 : vector<16xi1>, vector<16xf32>
      %add3A_31 = arith.addf %scan3A_24, %select_n3A : vector<16xf32>
      %select_n3A_32 = arith.select %and3A, %get3A_30, %broadcast_in_dim3A_7 : vector<16xi1>, vector<16xf32>
      %add3A_33 = arith.addf %scan3A_25, %select_n3A_32 : vector<16xf32>
      scf.yield %add3A_31, %add3A_33 : vector<16xf32>, vector<16xf32>
    }
    %scan3A_14 = arith.constant 4096 : i32
    %swap3A = arith.constant 0 : index
    %swap3A_15 = tpu.vector_load %arg6[%swap3A] {strides = array<i32>} : memref<16xf32, #tpu.memory_space<vmem>>, vector<16xf32>,
    %swap3A_16 = vector.shape_cast %swap3A_15 : vector<16xf32> to vector<16xf32>
    %swap3A_17 = vector.shape_cast %scan3A_13#0 : vector<16xf32> to vector<16xf32>
    tpu.vector_store %arg6[%swap3A], %swap3A_17 {strides = array<i32>} : memref<16xf32, #tpu.memory_space<vmem>>, vector<16xf32>,
    %run_scoped3A = arith.constant 0 : i32
    "tpu.region"() ({
      %run_scoped3A_23 = tpu.sem_alloc : memref<!tpu.dma_semaphore, #tpu.memory_space<semaphore_mem>>
      %dma_start3A = arith.constant 0 : i32
      %dma_start3A_24 = tpu.memref_slice %arg4[%run_scoped3A, %add3A, %dma_start3A] : memref<2x32x16xf32, #tpu.memory_space<hbm>> -> memref<1x1x16xf32, #tpu.memory_space<hbm>>
      %dma_start3A_25 = tpu.memref_squeeze %dma_start3A_24 : memref<1x1x16xf32, #tpu.memory_space<hbm>> -> memref<16xf32, #tpu.memory_space<hbm>>
      %dma_start3A_26 = arith.constant 0 : i32
      %dma_start3A_27 = tpu.memref_slice %arg4[%run_scoped3A, %add3A, %dma_start3A_26] : memref<2x32x16xf32, #tpu.memory_space<hbm>> -> memref<1x1x16xf32, #tpu.memory_space<hbm>>
      %dma_start3A_28 = tpu.memref_squeeze %dma_start3A_27 : memref<1x1x16xf32, #tpu.memory_space<hbm>> -> memref<16xf32, #tpu.memory_space<hbm>>
      tpu.enqueue_dma source(%arg6 : memref<16xf32, #tpu.memory_space<vmem>>) target(%dma_start3A_28 : memref<16xf32, #tpu.memory_space<hbm>>) target_semaphore(%run_scoped3A_23 : memref<!tpu.dma_semaphore, #tpu.memory_space<semaphore_mem>>)
      %dma_wait3A = arith.constant 0 : i32
      %dma_wait3A_29 = tpu.memref_slice %arg4[%run_scoped3A, %add3A, %dma_wait3A] : memref<2x32x16xf32, #tpu.memory_space<hbm>> -> memref<1x1x16xf32, #tpu.memory_space<hbm>>
      %dma_wait3A_30 = tpu.memref_squeeze %dma_wait3A_29 : memref<1x1x16xf32, #tpu.memory_space<hbm>> -> memref<16xf32, #tpu.memory_space<hbm>>
      %dma_wait3A_31 = arith.constant 0 : i32
      %dma_wait3A_32 = tpu.memref_slice %arg4[%run_scoped3A, %add3A, %dma_wait3A_31] : memref<2x32x16xf32, #tpu.memory_space<hbm>> -> memref<1x1x16xf32, #tpu.memory_space<hbm>>
      %dma_wait3A_33 = tpu.memref_squeeze %dma_wait3A_32 : memref<1x1x16xf32, #tpu.memory_space<hbm>> -> memref<16xf32, #tpu.memory_space<hbm>>
      tpu.wait_dma2 semaphore(%run_scoped3A_23 : memref<!tpu.dma_semaphore, #tpu.memory_space<semaphore_mem>>) src(%arg6 : memref<16xf32, #tpu.memory_space<vmem>>) dst(%dma_wait3A_33 : memref<16xf32, #tpu.memory_space<hbm>>)
      tpu.yield
    }) : () -> ()
    %swap3A_18 = arith.constant 0 : index
    %swap3A_19 = tpu.vector_load %arg6[%swap3A_18] {strides = array<i32>} : memref<16xf32, #tpu.memory_space<vmem>>, vector<16xf32>,
    %swap3A_20 = vector.shape_cast %swap3A_19 : vector<16xf32> to vector<16xf32>
    %swap3A_21 = vector.shape_cast %scan3A_13#1 : vector<16xf32> to vector<16xf32>
    tpu.vector_store %arg6[%swap3A_18], %swap3A_21 {strides = array<i32>} : memref<16xf32, #tpu.memory_space<vmem>>, vector<16xf32>,
    %run_scoped3A_22 = arith.constant 1 : i32
    "tpu.region"() ({
      %run_scoped3A_23 = tpu.sem_alloc : memref<!tpu.dma_semaphore, #tpu.memory_space<semaphore_mem>>
      %dma_start3A = arith.constant 0 : i32
      %dma_start3A_24 = tpu.memref_slice %arg4[%run_scoped3A_22, %add3A, %dma_start3A] : memref<2x32x16xf32, #tpu.memory_space<hbm>> -> memref<1x1x16xf32, #tpu.memory_space<hbm>>
      %dma_start3A_25 = tpu.memref_squeeze %dma_start3A_24 : memref<1x1x16xf32, #tpu.memory_space<hbm>> -> memref<16xf32, #tpu.memory_space<hbm>>
      %dma_start3A_26 = arith.constant 0 : i32
      %dma_start3A_27 = tpu.memref_slice %arg4[%run_scoped3A_22, %add3A, %dma_start3A_26] : memref<2x32x16xf32, #tpu.memory_space<hbm>> -> memref<1x1x16xf32, #tpu.memory_space<hbm>>
      %dma_start3A_28 = tpu.memref_squeeze %dma_start3A_27 : memref<1x1x16xf32, #tpu.memory_space<hbm>> -> memref<16xf32, #tpu.memory_space<hbm>>
      tpu.enqueue_dma source(%arg6 : memref<16xf32, #tpu.memory_space<vmem>>) target(%dma_start3A_28 : memref<16xf32, #tpu.memory_space<hbm>>) target_semaphore(%run_scoped3A_23 : memref<!tpu.dma_semaphore, #tpu.memory_space<semaphore_mem>>)
      %dma_wait3A = arith.constant 0 : i32
      %dma_wait3A_29 = tpu.memref_slice %arg4[%run_scoped3A_22, %add3A, %dma_wait3A] : memref<2x32x16xf32, #tpu.memory_space<hbm>> -> memref<1x1x16xf32, #tpu.memory_space<hbm>>
      %dma_wait3A_30 = tpu.memref_squeeze %dma_wait3A_29 : memref<1x1x16xf32, #tpu.memory_space<hbm>> -> memref<16xf32, #tpu.memory_space<hbm>>
      %dma_wait3A_31 = arith.constant 0 : i32
      %dma_wait3A_32 = tpu.memref_slice %arg4[%run_scoped3A_22, %add3A, %dma_wait3A_31] : memref<2x32x16xf32, #tpu.memory_space<hbm>> -> memref<1x1x16xf32, #tpu.memory_space<hbm>>
      %dma_wait3A_33 = tpu.memref_squeeze %dma_wait3A_32 : memref<1x1x16xf32, #tpu.memory_space<hbm>> -> memref<16xf32, #tpu.memory_space<hbm>>
      tpu.wait_dma2 semaphore(%run_scoped3A_23 : memref<!tpu.dma_semaphore, #tpu.memory_space<semaphore_mem>>) src(%arg6 : memref<16xf32, #tpu.memory_space<vmem>>) dst(%dma_wait3A_33 : memref<16xf32, #tpu.memory_space<hbm>>)
      tpu.yield
    }) : () -> ()
    return
  }
}

#map = affine_map<(d0, d1) -> (0)>
#map1 = affine_map<(d0, d1) -> (0, 0, 0)>
module attributes {stable_mosaic.version = 14 : i64} {
  func.func @countsum(%arg0: i32, %arg1: i32, %arg2: memref<2097152xf32, #tpu.memory_space<hbm>>, %arg3: memref<16xf32, #tpu.memory_space<hbm>>, %arg4: memref<2x32x16xf32, #tpu.memory_space<hbm>>, %arg5: memref<65536xf32, #tpu.memory_space<vmem>>, %arg6: memref<16xf32, #tpu.memory_space<vmem>>) attributes {dimension_semantics = [#tpu.dimension_semantics<core_parallel>, #tpu.dimension_semantics<subcore_parallel>], iteration_bounds = array<i64: 2, 16>, scalar_prefetch = 0 : i64, scratch_operands = 2 : i64, tpu.core_type = #tpu.core_type<sc_vector_subcore>, window_params = [{transform_indices = #map}, {transform_indices = #map}, {transform_indices = #map1}]} {
    %mul3A = arith.constant 2 : i32
    %mul3A_0 = arith.muli %arg1, %mul3A : i32
    %add3A = arith.addi %mul3A_0, %arg0 : i32
    %mul3A_1 = arith.constant 65536 : i32
    %mul3A_2 = arith.muli %add3A, %mul3A_1 : i32
    "tpu.region"() ({
      %run_scoped3A_23 = tpu.sem_alloc : memref<!tpu.dma_semaphore, #tpu.memory_space<semaphore_mem>>
      %dma_start3A = tpu.memref_slice %arg2[%mul3A_2] : memref<2097152xf32, #tpu.memory_space<hbm>> -> memref<65536xf32, #tpu.memory_space<hbm>>
      %dma_start3A_24 = tpu.memref_slice %arg2[%mul3A_2] : memref<2097152xf32, #tpu.memory_space<hbm>> -> memref<65536xf32, #tpu.memory_space<hbm>>
      tpu.enqueue_dma source(%dma_start3A_24 : memref<65536xf32, #tpu.memory_space<hbm>>) target(%arg5 : memref<65536xf32, #tpu.memory_space<vmem>>) target_semaphore(%run_scoped3A_23 : memref<!tpu.dma_semaphore, #tpu.memory_space<semaphore_mem>>)
      %dma_wait3A = tpu.memref_slice %arg2[%mul3A_2] : memref<2097152xf32, #tpu.memory_space<hbm>> -> memref<65536xf32, #tpu.memory_space<hbm>>
      %dma_wait3A_25 = tpu.memref_slice %arg2[%mul3A_2] : memref<2097152xf32, #tpu.memory_space<hbm>> -> memref<65536xf32, #tpu.memory_space<hbm>>
      tpu.wait_dma2 semaphore(%run_scoped3A_23 : memref<!tpu.dma_semaphore, #tpu.memory_space<semaphore_mem>>) src(%dma_wait3A_25 : memref<65536xf32, #tpu.memory_space<hbm>>) dst(%arg5 : memref<65536xf32, #tpu.memory_space<vmem>>)
      tpu.yield
    }) : () -> ()
    "tpu.region"() ({
      %run_scoped3A_23 = tpu.sem_alloc : memref<!tpu.dma_semaphore, #tpu.memory_space<semaphore_mem>>
      tpu.enqueue_dma source(%arg3 : memref<16xf32, #tpu.memory_space<hbm>>) target(%arg6 : memref<16xf32, #tpu.memory_space<vmem>>) target_semaphore(%run_scoped3A_23 : memref<!tpu.dma_semaphore, #tpu.memory_space<semaphore_mem>>)
      tpu.wait_dma2 semaphore(%run_scoped3A_23 : memref<!tpu.dma_semaphore, #tpu.memory_space<semaphore_mem>>) src(%arg3 : memref<16xf32, #tpu.memory_space<hbm>>) dst(%arg6 : memref<16xf32, #tpu.memory_space<vmem>>)
      tpu.yield
    }) : () -> ()
    %get3A = arith.constant 0 : index
    %get3A_3 = tpu.vector_load %arg6[%get3A] {strides = array<i32>} : memref<16xf32, #tpu.memory_space<vmem>>, vector<16xf32>,
    %get3A_4 = vector.shape_cast %get3A_3 : vector<16xf32> to vector<16xf32>
    %broadcast_in_dim3A = arith.constant 0.356674939 : f32
    %broadcast_in_dim3A_5 = vector.broadcast %broadcast_in_dim3A : f32 to vector<16xf32>
    %broadcast_in_dim3A_6 = arith.constant 0.000000e+00 : f32
    %broadcast_in_dim3A_7 = vector.broadcast %broadcast_in_dim3A_6 : f32 to vector<16xf32>
    %broadcast_in_dim3A_8 = arith.constant 1.000000e+00 : f32
    %broadcast_in_dim3A_9 = vector.broadcast %broadcast_in_dim3A_8 : f32 to vector<16xf32>
    %scan3A = arith.constant 0 : i32
    %scan3A_10 = arith.constant 4096 : i32
    %scan3A_11 = arith.addi %scan3A, %scan3A_10 : i32
    %scan3A_12 = arith.constant 1 : i32
    %scan3A_13:2 = scf.for %scan3A_23 = %scan3A to %scan3A_11 step %scan3A_12 iter_args(%scan3A_24 = %broadcast_in_dim3A_7, %scan3A_25 = %broadcast_in_dim3A_7) -> (vector<16xf32>, vector<16xf32>)  : i32 {
      %mul3A_26 = arith.constant 16 : i32
      %mul3A_27 = arith.muli %scan3A_23, %mul3A_26 : i32
      %get3A_28 = arith.index_cast %mul3A_27 : i32 to index
      %get3A_29 = tpu.vector_load %arg5[%get3A_28] {strides = array<i32>} : memref<65536xf32, #tpu.memory_space<vmem>>, vector<16xf32>,
      %get3A_30 = vector.shape_cast %get3A_29 : vector<16xf32> to vector<16xf32>
      %le3A = arith.cmpf ole, %get3A_30, %broadcast_in_dim3A_5 : vector<16xf32>
      %gt3A = arith.cmpf ogt, %get3A_30, %get3A_4 : vector<16xf32>
      %and3A = arith.andi %le3A, %gt3A : vector<16xi1>
      %select_n3A = arith.select %and3A, %broadcast_in_dim3A_9, %broadcast_in_dim3A_7 : vector<16xi1>, vector<16xf32>
      %add3A_31 = arith.addf %scan3A_24, %select_n3A : vector<16xf32>
      %select_n3A_32 = arith.select %and3A, %get3A_30, %broadcast_in_dim3A_7 : vector<16xi1>, vector<16xf32>
      %add3A_33 = arith.addf %scan3A_25, %select_n3A_32 : vector<16xf32>
      scf.yield %add3A_31, %add3A_33 : vector<16xf32>, vector<16xf32>
    }
    %scan3A_14 = arith.constant 4096 : i32
    %swap3A = arith.constant 0 : index
    %swap3A_15 = tpu.vector_load %arg6[%swap3A] {strides = array<i32>} : memref<16xf32, #tpu.memory_space<vmem>>, vector<16xf32>,
    %swap3A_16 = vector.shape_cast %swap3A_15 : vector<16xf32> to vector<16xf32>
    %swap3A_17 = vector.shape_cast %scan3A_13#0 : vector<16xf32> to vector<16xf32>
    tpu.vector_store %arg6[%swap3A], %swap3A_17 {strides = array<i32>} : memref<16xf32, #tpu.memory_space<vmem>>, vector<16xf32>,
    %run_scoped3A = arith.constant 0 : i32
    "tpu.region"() ({
      %run_scoped3A_23 = tpu.sem_alloc : memref<!tpu.dma_semaphore, #tpu.memory_space<semaphore_mem>>
      %dma_start3A = arith.constant 0 : i32
      %dma_start3A_24 = tpu.memref_slice %arg4[%run_scoped3A, %add3A, %dma_start3A] : memref<2x32x16xf32, #tpu.memory_space<hbm>> -> memref<1x1x16xf32, #tpu.memory_space<hbm>>
      %dma_start3A_25 = tpu.memref_squeeze %dma_start3A_24 : memref<1x1x16xf32, #tpu.memory_space<hbm>> -> memref<16xf32, #tpu.memory_space<hbm>>
      %dma_start3A_26 = arith.constant 0 : i32
      %dma_start3A_27 = tpu.memref_slice %arg4[%run_scoped3A, %add3A, %dma_start3A_26] : memref<2x32x16xf32, #tpu.memory_space<hbm>> -> memref<1x1x16xf32, #tpu.memory_space<hbm>>
      %dma_start3A_28 = tpu.memref_squeeze %dma_start3A_27 : memref<1x1x16xf32, #tpu.memory_space<hbm>> -> memref<16xf32, #tpu.memory_space<hbm>>
      tpu.enqueue_dma source(%arg6 : memref<16xf32, #tpu.memory_space<vmem>>) target(%dma_start3A_28 : memref<16xf32, #tpu.memory_space<hbm>>) target_semaphore(%run_scoped3A_23 : memref<!tpu.dma_semaphore, #tpu.memory_space<semaphore_mem>>)
      %dma_wait3A = arith.constant 0 : i32
      %dma_wait3A_29 = tpu.memref_slice %arg4[%run_scoped3A, %add3A, %dma_wait3A] : memref<2x32x16xf32, #tpu.memory_space<hbm>> -> memref<1x1x16xf32, #tpu.memory_space<hbm>>
      %dma_wait3A_30 = tpu.memref_squeeze %dma_wait3A_29 : memref<1x1x16xf32, #tpu.memory_space<hbm>> -> memref<16xf32, #tpu.memory_space<hbm>>
      %dma_wait3A_31 = arith.constant 0 : i32
      %dma_wait3A_32 = tpu.memref_slice %arg4[%run_scoped3A, %add3A, %dma_wait3A_31] : memref<2x32x16xf32, #tpu.memory_space<hbm>> -> memref<1x1x16xf32, #tpu.memory_space<hbm>>
      %dma_wait3A_33 = tpu.memref_squeeze %dma_wait3A_32 : memref<1x1x16xf32, #tpu.memory_space<hbm>> -> memref<16xf32, #tpu.memory_space<hbm>>
      tpu.wait_dma2 semaphore(%run_scoped3A_23 : memref<!tpu.dma_semaphore, #tpu.memory_space<semaphore_mem>>) src(%arg6 : memref<16xf32, #tpu.memory_space<vmem>>) dst(%dma_wait3A_33 : memref<16xf32, #tpu.memory_space<hbm>>)
      tpu.yield
    }) : () -> ()
    %swap3A_18 = arith.constant 0 : index
    %swap3A_19 = tpu.vector_load %arg6[%swap3A_18] {strides = array<i32>} : memref<16xf32, #tpu.memory_space<vmem>>, vector<16xf32>,
    %swap3A_20 = vector.shape_cast %swap3A_19 : vector<16xf32> to vector<16xf32>
    %swap3A_21 = vector.shape_cast %scan3A_13#1 : vector<16xf32> to vector<16xf32>
    tpu.vector_store %arg6[%swap3A_18], %swap3A_21 {strides = array<i32>} : memref<16xf32, #tpu.memory_space<vmem>>, vector<16xf32>,
    %run_scoped3A_22 = arith.constant 1 : i32
    "tpu.region"() ({
      %run_scoped3A_23 = tpu.sem_alloc : memref<!tpu.dma_semaphore, #tpu.memory_space<semaphore_mem>>
      %dma_start3A = arith.constant 0 : i32
      %dma_start3A_24 = tpu.memref_slice %arg4[%run_scoped3A_22, %add3A, %dma_start3A] : memref<2x32x16xf32, #tpu.memory_space<hbm>> -> memref<1x1x16xf32, #tpu.memory_space<hbm>>
      %dma_start3A_25 = tpu.memref_squeeze %dma_start3A_24 : memref<1x1x16xf32, #tpu.memory_space<hbm>> -> memref<16xf32, #tpu.memory_space<hbm>>
      %dma_start3A_26 = arith.constant 0 : i32
      %dma_start3A_27 = tpu.memref_slice %arg4[%run_scoped3A_22, %add3A, %dma_start3A_26] : memref<2x32x16xf32, #tpu.memory_space<hbm>> -> memref<1x1x16xf32, #tpu.memory_space<hbm>>
      %dma_start3A_28 = tpu.memref_squeeze %dma_start3A_27 : memref<1x1x16xf32, #tpu.memory_space<hbm>> -> memref<16xf32, #tpu.memory_space<hbm>>
      tpu.enqueue_dma source(%arg6 : memref<16xf32, #tpu.memory_space<vmem>>) target(%dma_start3A_28 : memref<16xf32, #tpu.memory_space<hbm>>) target_semaphore(%run_scoped3A_23 : memref<!tpu.dma_semaphore, #tpu.memory_space<semaphore_mem>>)
      %dma_wait3A = arith.constant 0 : i32
      %dma_wait3A_29 = tpu.memref_slice %arg4[%run_scoped3A_22, %add3A, %dma_wait3A] : memref<2x32x16xf32, #tpu.memory_space<hbm>> -> memref<1x1x16xf32, #tpu.memory_space<hbm>>
      %dma_wait3A_30 = tpu.memref_squeeze %dma_wait3A_29 : memref<1x1x16xf32, #tpu.memory_space<hbm>> -> memref<16xf32, #tpu.memory_space<hbm>>
      %dma_wait3A_31 = arith.constant 0 : i32
      %dma_wait3A_32 = tpu.memref_slice %arg4[%run_scoped3A_22, %add3A, %dma_wait3A_31] : memref<2x32x16xf32, #tpu.memory_space<hbm>> -> memref<1x1x16xf32, #tpu.memory_space<hbm>>
      %dma_wait3A_33 = tpu.memref_squeeze %dma_wait3A_32 : memref<1x1x16xf32, #tpu.memory_space<hbm>> -> memref<16xf32, #tpu.memory_space<hbm>>
      tpu.wait_dma2 semaphore(%run_scoped3A_23 : memref<!tpu.dma_semaphore, #tpu.memory_space<semaphore_mem>>) src(%arg6 : memref<16xf32, #tpu.memory_space<vmem>>) dst(%dma_wait3A_33 : memref<16xf32, #tpu.memory_space<hbm>>)
      tpu.yield
    }) : () -> ()
    return
  }
}

module attributes {stable_mosaic.version = 14 : i64} {
  func.func @_ce_stats_body(%arg0: i32, %arg1: i32, %arg2: memref<1x19x64x512xf32, #tpu.memory_space<vmem>>, %arg3: memref<1x64x512xi32, #tpu.memory_space<vmem>>, %arg4: memref<2xf32, #tpu.memory_space<smem>>) attributes {dimension_semantics = [#tpu.dimension_semantics<arbitrary>, #tpu.dimension_semantics<arbitrary>], iteration_bounds = array<i64: 8, 8>, scalar_prefetch = 0 : i64, scratch_operands = 0 : i64, tpu.core_type = #tpu.core_type<tc>, window_params = [{transform_indices = @transform_0, window_bounds = array<i64: 1, 19, 64, 512>}, {transform_indices = @transform_1, window_bounds = array<i64: 1, 64, 512>}, {transform_indices = @transform_2, window_bounds = array<i64: 2>}]} {
    %get3A = arith.constant 0 : index
    %get3A_0 = arith.constant 0 : index
    %get3A_1 = arith.constant 0 : index
    %get3A_2 = vector.load %arg3[%get3A, %get3A_0, %get3A_1] : memref<1x64x512xi32, #tpu.memory_space<vmem>>, vector<1x64x512xi32>
    %get3A_3 = vector.shape_cast %get3A_2 : vector<1x64x512xi32> to vector<64x512xi32>
    %get3A_4 = arith.constant 0 : index
    %get3A_5 = arith.constant 0 : index
    %get3A_6 = arith.constant 0 : index
    %get3A_7 = arith.constant 0 : index
    %get3A_8 = vector.load %arg2[%get3A_4, %get3A_5, %get3A_6, %get3A_7] : memref<1x19x64x512xf32, #tpu.memory_space<vmem>>, vector<1x1x64x512xf32>
    %get3A_9 = vector.shape_cast %get3A_8 : vector<1x1x64x512xf32> to vector<64x512xf32>
    %get3A_10 = arith.constant 0 : index
    %get3A_11 = arith.constant 1 : index
    %get3A_12 = arith.constant 0 : index
    %get3A_13 = arith.constant 0 : index
    %get3A_14 = vector.load %arg2[%get3A_10, %get3A_11, %get3A_12, %get3A_13] : memref<1x19x64x512xf32, #tpu.memory_space<vmem>>, vector<1x1x64x512xf32>
    %get3A_15 = vector.shape_cast %get3A_14 : vector<1x1x64x512xf32> to vector<64x512xf32>
    %max3A = arith.maximumf %get3A_9, %get3A_15 : vector<64x512xf32>
    %get3A_16 = arith.constant 0 : index
    %get3A_17 = arith.constant 2 : index
    %get3A_18 = arith.constant 0 : index
    %get3A_19 = arith.constant 0 : index
    %get3A_20 = vector.load %arg2[%get3A_16, %get3A_17, %get3A_18, %get3A_19] : memref<1x19x64x512xf32, #tpu.memory_space<vmem>>, vector<1x1x64x512xf32>
    %get3A_21 = vector.shape_cast %get3A_20 : vector<1x1x64x512xf32> to vector<64x512xf32>
    %max3A_22 = arith.maximumf %max3A, %get3A_21 : vector<64x512xf32>
    %get3A_23 = arith.constant 0 : index
    %get3A_24 = arith.constant 3 : index
    %get3A_25 = arith.constant 0 : index
    %get3A_26 = arith.constant 0 : index
    %get3A_27 = vector.load %arg2[%get3A_23, %get3A_24, %get3A_25, %get3A_26] : memref<1x19x64x512xf32, #tpu.memory_space<vmem>>, vector<1x1x64x512xf32>
    %get3A_28 = vector.shape_cast %get3A_27 : vector<1x1x64x512xf32> to vector<64x512xf32>
    %max3A_29 = arith.maximumf %max3A_22, %get3A_28 : vector<64x512xf32>
    %get3A_30 = arith.constant 0 : index
    %get3A_31 = arith.constant 4 : index
    %get3A_32 = arith.constant 0 : index
    %get3A_33 = arith.constant 0 : index
    %get3A_34 = vector.load %arg2[%get3A_30, %get3A_31, %get3A_32, %get3A_33] : memref<1x19x64x512xf32, #tpu.memory_space<vmem>>, vector<1x1x64x512xf32>
    %get3A_35 = vector.shape_cast %get3A_34 : vector<1x1x64x512xf32> to vector<64x512xf32>
    %max3A_36 = arith.maximumf %max3A_29, %get3A_35 : vector<64x512xf32>
    %get3A_37 = arith.constant 0 : index
    %get3A_38 = arith.constant 5 : index
    %get3A_39 = arith.constant 0 : index
    %get3A_40 = arith.constant 0 : index
    %get3A_41 = vector.load %arg2[%get3A_37, %get3A_38, %get3A_39, %get3A_40] : memref<1x19x64x512xf32, #tpu.memory_space<vmem>>, vector<1x1x64x512xf32>
    %get3A_42 = vector.shape_cast %get3A_41 : vector<1x1x64x512xf32> to vector<64x512xf32>
    %max3A_43 = arith.maximumf %max3A_36, %get3A_42 : vector<64x512xf32>
    %get3A_44 = arith.constant 0 : index
    %get3A_45 = arith.constant 6 : index
    %get3A_46 = arith.constant 0 : index
    %get3A_47 = arith.constant 0 : index
    %get3A_48 = vector.load %arg2[%get3A_44, %get3A_45, %get3A_46, %get3A_47] : memref<1x19x64x512xf32, #tpu.memory_space<vmem>>, vector<1x1x64x512xf32>
    %get3A_49 = vector.shape_cast %get3A_48 : vector<1x1x64x512xf32> to vector<64x512xf32>
    %max3A_50 = arith.maximumf %max3A_43, %get3A_49 : vector<64x512xf32>
    %get3A_51 = arith.constant 0 : index
    %get3A_52 = arith.constant 7 : index
    %get3A_53 = arith.constant 0 : index
    %get3A_54 = arith.constant 0 : index
    %get3A_55 = vector.load %arg2[%get3A_51, %get3A_52, %get3A_53, %get3A_54] : memref<1x19x64x512xf32, #tpu.memory_space<vmem>>, vector<1x1x64x512xf32>
    %get3A_56 = vector.shape_cast %get3A_55 : vector<1x1x64x512xf32> to vector<64x512xf32>
    %max3A_57 = arith.maximumf %max3A_50, %get3A_56 : vector<64x512xf32>
    %get3A_58 = arith.constant 0 : index
    %get3A_59 = arith.constant 8 : index
    %get3A_60 = arith.constant 0 : index
    %get3A_61 = arith.constant 0 : index
    %get3A_62 = vector.load %arg2[%get3A_58, %get3A_59, %get3A_60, %get3A_61] : memref<1x19x64x512xf32, #tpu.memory_space<vmem>>, vector<1x1x64x512xf32>
    %get3A_63 = vector.shape_cast %get3A_62 : vector<1x1x64x512xf32> to vector<64x512xf32>
    %max3A_64 = arith.maximumf %max3A_57, %get3A_63 : vector<64x512xf32>
    %get3A_65 = arith.constant 0 : index
    %get3A_66 = arith.constant 9 : index
    %get3A_67 = arith.constant 0 : index
    %get3A_68 = arith.constant 0 : index
    %get3A_69 = vector.load %arg2[%get3A_65, %get3A_66, %get3A_67, %get3A_68] : memref<1x19x64x512xf32, #tpu.memory_space<vmem>>, vector<1x1x64x512xf32>
    %get3A_70 = vector.shape_cast %get3A_69 : vector<1x1x64x512xf32> to vector<64x512xf32>
    %max3A_71 = arith.maximumf %max3A_64, %get3A_70 : vector<64x512xf32>
    %get3A_72 = arith.constant 0 : index
    %get3A_73 = arith.constant 10 : index
    %get3A_74 = arith.constant 0 : index
    %get3A_75 = arith.constant 0 : index
    %get3A_76 = vector.load %arg2[%get3A_72, %get3A_73, %get3A_74, %get3A_75] : memref<1x19x64x512xf32, #tpu.memory_space<vmem>>, vector<1x1x64x512xf32>
    %get3A_77 = vector.shape_cast %get3A_76 : vector<1x1x64x512xf32> to vector<64x512xf32>
    %max3A_78 = arith.maximumf %max3A_71, %get3A_77 : vector<64x512xf32>
    %get3A_79 = arith.constant 0 : index
    %get3A_80 = arith.constant 11 : index
    %get3A_81 = arith.constant 0 : index
    %get3A_82 = arith.constant 0 : index
    %get3A_83 = vector.load %arg2[%get3A_79, %get3A_80, %get3A_81, %get3A_82] : memref<1x19x64x512xf32, #tpu.memory_space<vmem>>, vector<1x1x64x512xf32>
    %get3A_84 = vector.shape_cast %get3A_83 : vector<1x1x64x512xf32> to vector<64x512xf32>
    %max3A_85 = arith.maximumf %max3A_78, %get3A_84 : vector<64x512xf32>
    %get3A_86 = arith.constant 0 : index
    %get3A_87 = arith.constant 12 : index
    %get3A_88 = arith.constant 0 : index
    %get3A_89 = arith.constant 0 : index
    %get3A_90 = vector.load %arg2[%get3A_86, %get3A_87, %get3A_88, %get3A_89] : memref<1x19x64x512xf32, #tpu.memory_space<vmem>>, vector<1x1x64x512xf32>
    %get3A_91 = vector.shape_cast %get3A_90 : vector<1x1x64x512xf32> to vector<64x512xf32>
    %max3A_92 = arith.maximumf %max3A_85, %get3A_91 : vector<64x512xf32>
    %get3A_93 = arith.constant 0 : index
    %get3A_94 = arith.constant 13 : index
    %get3A_95 = arith.constant 0 : index
    %get3A_96 = arith.constant 0 : index
    %get3A_97 = vector.load %arg2[%get3A_93, %get3A_94, %get3A_95, %get3A_96] : memref<1x19x64x512xf32, #tpu.memory_space<vmem>>, vector<1x1x64x512xf32>
    %get3A_98 = vector.shape_cast %get3A_97 : vector<1x1x64x512xf32> to vector<64x512xf32>
    %max3A_99 = arith.maximumf %max3A_92, %get3A_98 : vector<64x512xf32>
    %get3A_100 = arith.constant 0 : index
    %get3A_101 = arith.constant 14 : index
    %get3A_102 = arith.constant 0 : index
    %get3A_103 = arith.constant 0 : index
    %get3A_104 = vector.load %arg2[%get3A_100, %get3A_101, %get3A_102, %get3A_103] : memref<1x19x64x512xf32, #tpu.memory_space<vmem>>, vector<1x1x64x512xf32>
    %get3A_105 = vector.shape_cast %get3A_104 : vector<1x1x64x512xf32> to vector<64x512xf32>
    %max3A_106 = arith.maximumf %max3A_99, %get3A_105 : vector<64x512xf32>
    %get3A_107 = arith.constant 0 : index
    %get3A_108 = arith.constant 15 : index
    %get3A_109 = arith.constant 0 : index
    %get3A_110 = arith.constant 0 : index
    %get3A_111 = vector.load %arg2[%get3A_107, %get3A_108, %get3A_109, %get3A_110] : memref<1x19x64x512xf32, #tpu.memory_space<vmem>>, vector<1x1x64x512xf32>
    %get3A_112 = vector.shape_cast %get3A_111 : vector<1x1x64x512xf32> to vector<64x512xf32>
    %max3A_113 = arith.maximumf %max3A_106, %get3A_112 : vector<64x512xf32>
    %get3A_114 = arith.constant 0 : index
    %get3A_115 = arith.constant 16 : index
    %get3A_116 = arith.constant 0 : index
    %get3A_117 = arith.constant 0 : index
    %get3A_118 = vector.load %arg2[%get3A_114, %get3A_115, %get3A_116, %get3A_117] : memref<1x19x64x512xf32, #tpu.memory_space<vmem>>, vector<1x1x64x512xf32>
    %get3A_119 = vector.shape_cast %get3A_118 : vector<1x1x64x512xf32> to vector<64x512xf32>
    %max3A_120 = arith.maximumf %max3A_113, %get3A_119 : vector<64x512xf32>
    %get3A_121 = arith.constant 0 : index
    %get3A_122 = arith.constant 17 : index
    %get3A_123 = arith.constant 0 : index
    %get3A_124 = arith.constant 0 : index
    %get3A_125 = vector.load %arg2[%get3A_121, %get3A_122, %get3A_123, %get3A_124] : memref<1x19x64x512xf32, #tpu.memory_space<vmem>>, vector<1x1x64x512xf32>
    %get3A_126 = vector.shape_cast %get3A_125 : vector<1x1x64x512xf32> to vector<64x512xf32>
    %max3A_127 = arith.maximumf %max3A_120, %get3A_126 : vector<64x512xf32>
    %get3A_128 = arith.constant 0 : index
    %get3A_129 = arith.constant 18 : index
    %get3A_130 = arith.constant 0 : index
    %get3A_131 = arith.constant 0 : index
    %get3A_132 = vector.load %arg2[%get3A_128, %get3A_129, %get3A_130, %get3A_131] : memref<1x19x64x512xf32, #tpu.memory_space<vmem>>, vector<1x1x64x512xf32>
    %get3A_133 = vector.shape_cast %get3A_132 : vector<1x1x64x512xf32> to vector<64x512xf32>
    %max3A_134 = arith.maximumf %max3A_127, %get3A_133 : vector<64x512xf32>
    %broadcast_in_dim3A = arith.constant 0.000000e+00 : f32
    %broadcast_in_dim3A_135 = vector.broadcast %broadcast_in_dim3A : f32 to vector<64x512xf32>
    %broadcast_in_dim3A_136 = arith.constant 0.000000e+00 : f32
    %broadcast_in_dim3A_137 = vector.broadcast %broadcast_in_dim3A_136 : f32 to vector<64x512xf32>
    %get3A_138 = arith.constant 0 : index
    %get3A_139 = arith.constant 0 : index
    %get3A_140 = arith.constant 0 : index
    %get3A_141 = arith.constant 0 : index
    %get3A_142 = vector.load %arg2[%get3A_138, %get3A_139, %get3A_140, %get3A_141] : memref<1x19x64x512xf32, #tpu.memory_space<vmem>>, vector<1x1x64x512xf32>
    %get3A_143 = vector.shape_cast %get3A_142 : vector<1x1x64x512xf32> to vector<64x512xf32>
    %sub3A = arith.subf %get3A_143, %max3A_134 : vector<64x512xf32>
    %exp3A = math.exp %sub3A : vector<64x512xf32>
    %add3A = arith.addf %broadcast_in_dim3A_135, %exp3A : vector<64x512xf32>
    %eq3A = arith.constant 0 : i32
    %eq3A_144 = vector.broadcast %eq3A : i32 to vector<64x512xi32>
    %eq3A_145 = arith.cmpi eq, %get3A_3, %eq3A_144 : vector<64x512xi32>
    %select_n3A = arith.select %eq3A_145, %get3A_143, %broadcast_in_dim3A_137 : vector<64x512xi1>, vector<64x512xf32>
    %get3A_146 = arith.constant 0 : index
    %get3A_147 = arith.constant 1 : index
    %get3A_148 = arith.constant 0 : index
    %get3A_149 = arith.constant 0 : index
    %get3A_150 = vector.load %arg2[%get3A_146, %get3A_147, %get3A_148, %get3A_149] : memref<1x19x64x512xf32, #tpu.memory_space<vmem>>, vector<1x1x64x512xf32>
    %get3A_151 = vector.shape_cast %get3A_150 : vector<1x1x64x512xf32> to vector<64x512xf32>
    %sub3A_152 = arith.subf %get3A_151, %max3A_134 : vector<64x512xf32>
    %exp3A_153 = math.exp %sub3A_152 : vector<64x512xf32>
    %add3A_154 = arith.addf %add3A, %exp3A_153 : vector<64x512xf32>
    %eq3A_155 = arith.constant 1 : i32
    %eq3A_156 = vector.broadcast %eq3A_155 : i32 to vector<64x512xi32>
    %eq3A_157 = arith.cmpi eq, %get3A_3, %eq3A_156 : vector<64x512xi32>
    %select_n3A_158 = arith.select %eq3A_157, %get3A_151, %select_n3A : vector<64x512xi1>, vector<64x512xf32>
    %get3A_159 = arith.constant 0 : index
    %get3A_160 = arith.constant 2 : index
    %get3A_161 = arith.constant 0 : index
    %get3A_162 = arith.constant 0 : index
    %get3A_163 = vector.load %arg2[%get3A_159, %get3A_160, %get3A_161, %get3A_162] : memref<1x19x64x512xf32, #tpu.memory_space<vmem>>, vector<1x1x64x512xf32>
    %get3A_164 = vector.shape_cast %get3A_163 : vector<1x1x64x512xf32> to vector<64x512xf32>
    %sub3A_165 = arith.subf %get3A_164, %max3A_134 : vector<64x512xf32>
    %exp3A_166 = math.exp %sub3A_165 : vector<64x512xf32>
    %add3A_167 = arith.addf %add3A_154, %exp3A_166 : vector<64x512xf32>
    %eq3A_168 = arith.constant 2 : i32
    %eq3A_169 = vector.broadcast %eq3A_168 : i32 to vector<64x512xi32>
    %eq3A_170 = arith.cmpi eq, %get3A_3, %eq3A_169 : vector<64x512xi32>
    %select_n3A_171 = arith.select %eq3A_170, %get3A_164, %select_n3A_158 : vector<64x512xi1>, vector<64x512xf32>
    %get3A_172 = arith.constant 0 : index
    %get3A_173 = arith.constant 3 : index
    %get3A_174 = arith.constant 0 : index
    %get3A_175 = arith.constant 0 : index
    %get3A_176 = vector.load %arg2[%get3A_172, %get3A_173, %get3A_174, %get3A_175] : memref<1x19x64x512xf32, #tpu.memory_space<vmem>>, vector<1x1x64x512xf32>
    %get3A_177 = vector.shape_cast %get3A_176 : vector<1x1x64x512xf32> to vector<64x512xf32>
    %sub3A_178 = arith.subf %get3A_177, %max3A_134 : vector<64x512xf32>
    %exp3A_179 = math.exp %sub3A_178 : vector<64x512xf32>
    %add3A_180 = arith.addf %add3A_167, %exp3A_179 : vector<64x512xf32>
    %eq3A_181 = arith.constant 3 : i32
    %eq3A_182 = vector.broadcast %eq3A_181 : i32 to vector<64x512xi32>
    %eq3A_183 = arith.cmpi eq, %get3A_3, %eq3A_182 : vector<64x512xi32>
    %select_n3A_184 = arith.select %eq3A_183, %get3A_177, %select_n3A_171 : vector<64x512xi1>, vector<64x512xf32>
    %get3A_185 = arith.constant 0 : index
    %get3A_186 = arith.constant 4 : index
    %get3A_187 = arith.constant 0 : index
    %get3A_188 = arith.constant 0 : index
    %get3A_189 = vector.load %arg2[%get3A_185, %get3A_186, %get3A_187, %get3A_188] : memref<1x19x64x512xf32, #tpu.memory_space<vmem>>, vector<1x1x64x512xf32>
    %get3A_190 = vector.shape_cast %get3A_189 : vector<1x1x64x512xf32> to vector<64x512xf32>
    %sub3A_191 = arith.subf %get3A_190, %max3A_134 : vector<64x512xf32>
    %exp3A_192 = math.exp %sub3A_191 : vector<64x512xf32>
    %add3A_193 = arith.addf %add3A_180, %exp3A_192 : vector<64x512xf32>
    %eq3A_194 = arith.constant 4 : i32
    %eq3A_195 = vector.broadcast %eq3A_194 : i32 to vector<64x512xi32>
    %eq3A_196 = arith.cmpi eq, %get3A_3, %eq3A_195 : vector<64x512xi32>
    %select_n3A_197 = arith.select %eq3A_196, %get3A_190, %select_n3A_184 : vector<64x512xi1>, vector<64x512xf32>
    %get3A_198 = arith.constant 0 : index
    %get3A_199 = arith.constant 5 : index
    %get3A_200 = arith.constant 0 : index
    %get3A_201 = arith.constant 0 : index
    %get3A_202 = vector.load %arg2[%get3A_198, %get3A_199, %get3A_200, %get3A_201] : memref<1x19x64x512xf32, #tpu.memory_space<vmem>>, vector<1x1x64x512xf32>
    %get3A_203 = vector.shape_cast %get3A_202 : vector<1x1x64x512xf32> to vector<64x512xf32>
    %sub3A_204 = arith.subf %get3A_203, %max3A_134 : vector<64x512xf32>
    %exp3A_205 = math.exp %sub3A_204 : vector<64x512xf32>
    %add3A_206 = arith.addf %add3A_193, %exp3A_205 : vector<64x512xf32>
    %eq3A_207 = arith.constant 5 : i32
    %eq3A_208 = vector.broadcast %eq3A_207 : i32 to vector<64x512xi32>
    %eq3A_209 = arith.cmpi eq, %get3A_3, %eq3A_208 : vector<64x512xi32>
    %select_n3A_210 = arith.select %eq3A_209, %get3A_203, %select_n3A_197 : vector<64x512xi1>, vector<64x512xf32>
    %get3A_211 = arith.constant 0 : index
    %get3A_212 = arith.constant 6 : index
    %get3A_213 = arith.constant 0 : index
    %get3A_214 = arith.constant 0 : index
    %get3A_215 = vector.load %arg2[%get3A_211, %get3A_212, %get3A_213, %get3A_214] : memref<1x19x64x512xf32, #tpu.memory_space<vmem>>, vector<1x1x64x512xf32>
    %get3A_216 = vector.shape_cast %get3A_215 : vector<1x1x64x512xf32> to vector<64x512xf32>
    %sub3A_217 = arith.subf %get3A_216, %max3A_134 : vector<64x512xf32>
    %exp3A_218 = math.exp %sub3A_217 : vector<64x512xf32>
    %add3A_219 = arith.addf %add3A_206, %exp3A_218 : vector<64x512xf32>
    %eq3A_220 = arith.constant 6 : i32
    %eq3A_221 = vector.broadcast %eq3A_220 : i32 to vector<64x512xi32>
    %eq3A_222 = arith.cmpi eq, %get3A_3, %eq3A_221 : vector<64x512xi32>
    %select_n3A_223 = arith.select %eq3A_222, %get3A_216, %select_n3A_210 : vector<64x512xi1>, vector<64x512xf32>
    %get3A_224 = arith.constant 0 : index
    %get3A_225 = arith.constant 7 : index
    %get3A_226 = arith.constant 0 : index
    %get3A_227 = arith.constant 0 : index
    %get3A_228 = vector.load %arg2[%get3A_224, %get3A_225, %get3A_226, %get3A_227] : memref<1x19x64x512xf32, #tpu.memory_space<vmem>>, vector<1x1x64x512xf32>
    %get3A_229 = vector.shape_cast %get3A_228 : vector<1x1x64x512xf32> to vector<64x512xf32>
    %sub3A_230 = arith.subf %get3A_229, %max3A_134 : vector<64x512xf32>
    %exp3A_231 = math.exp %sub3A_230 : vector<64x512xf32>
    %add3A_232 = arith.addf %add3A_219, %exp3A_231 : vector<64x512xf32>
    %eq3A_233 = arith.constant 7 : i32
    %eq3A_234 = vector.broadcast %eq3A_233 : i32 to vector<64x512xi32>
    %eq3A_235 = arith.cmpi eq, %get3A_3, %eq3A_234 : vector<64x512xi32>
    %select_n3A_236 = arith.select %eq3A_235, %get3A_229, %select_n3A_223 : vector<64x512xi1>, vector<64x512xf32>
    %get3A_237 = arith.constant 0 : index
    %get3A_238 = arith.constant 8 : index
    %get3A_239 = arith.constant 0 : index
    %get3A_240 = arith.constant 0 : index
    %get3A_241 = vector.load %arg2[%get3A_237, %get3A_238, %get3A_239, %get3A_240] : memref<1x19x64x512xf32, #tpu.memory_space<vmem>>, vector<1x1x64x512xf32>
    %get3A_242 = vector.shape_cast %get3A_241 : vector<1x1x64x512xf32> to vector<64x512xf32>
    %sub3A_243 = arith.subf %get3A_242, %max3A_134 : vector<64x512xf32>
    %exp3A_244 = math.exp %sub3A_243 : vector<64x512xf32>
    %add3A_245 = arith.addf %add3A_232, %exp3A_244 : vector<64x512xf32>
    %eq3A_246 = arith.constant 8 : i32
    %eq3A_247 = vector.broadcast %eq3A_246 : i32 to vector<64x512xi32>
    %eq3A_248 = arith.cmpi eq, %get3A_3, %eq3A_247 : vector<64x512xi32>
    %select_n3A_249 = arith.select %eq3A_248, %get3A_242, %select_n3A_236 : vector<64x512xi1>, vector<64x512xf32>
    %get3A_250 = arith.constant 0 : index
    %get3A_251 = arith.constant 9 : index
    %get3A_252 = arith.constant 0 : index
    %get3A_253 = arith.constant 0 : index
    %get3A_254 = vector.load %arg2[%get3A_250, %get3A_251, %get3A_252, %get3A_253] : memref<1x19x64x512xf32, #tpu.memory_space<vmem>>, vector<1x1x64x512xf32>
    %get3A_255 = vector.shape_cast %get3A_254 : vector<1x1x64x512xf32> to vector<64x512xf32>
    %sub3A_256 = arith.subf %get3A_255, %max3A_134 : vector<64x512xf32>
    %exp3A_257 = math.exp %sub3A_256 : vector<64x512xf32>
    %add3A_258 = arith.addf %add3A_245, %exp3A_257 : vector<64x512xf32>
    %eq3A_259 = arith.constant 9 : i32
    %eq3A_260 = vector.broadcast %eq3A_259 : i32 to vector<64x512xi32>
    %eq3A_261 = arith.cmpi eq, %get3A_3, %eq3A_260 : vector<64x512xi32>
    %select_n3A_262 = arith.select %eq3A_261, %get3A_255, %select_n3A_249 : vector<64x512xi1>, vector<64x512xf32>
    %get3A_263 = arith.constant 0 : index
    %get3A_264 = arith.constant 10 : index
    %get3A_265 = arith.constant 0 : index
    %get3A_266 = arith.constant 0 : index
    %get3A_267 = vector.load %arg2[%get3A_263, %get3A_264, %get3A_265, %get3A_266] : memref<1x19x64x512xf32, #tpu.memory_space<vmem>>, vector<1x1x64x512xf32>
    %get3A_268 = vector.shape_cast %get3A_267 : vector<1x1x64x512xf32> to vector<64x512xf32>
    %sub3A_269 = arith.subf %get3A_268, %max3A_134 : vector<64x512xf32>
    %exp3A_270 = math.exp %sub3A_269 : vector<64x512xf32>
    %add3A_271 = arith.addf %add3A_258, %exp3A_270 : vector<64x512xf32>
    %eq3A_272 = arith.constant 10 : i32
    %eq3A_273 = vector.broadcast %eq3A_272 : i32 to vector<64x512xi32>
    %eq3A_274 = arith.cmpi eq, %get3A_3, %eq3A_273 : vector<64x512xi32>
    %select_n3A_275 = arith.select %eq3A_274, %get3A_268, %select_n3A_262 : vector<64x512xi1>, vector<64x512xf32>
    %get3A_276 = arith.constant 0 : index
    %get3A_277 = arith.constant 11 : index
    %get3A_278 = arith.constant 0 : index
    %get3A_279 = arith.constant 0 : index
    %get3A_280 = vector.load %arg2[%get3A_276, %get3A_277, %get3A_278, %get3A_279] : memref<1x19x64x512xf32, #tpu.memory_space<vmem>>, vector<1x1x64x512xf32>
    %get3A_281 = vector.shape_cast %get3A_280 : vector<1x1x64x512xf32> to vector<64x512xf32>
    %sub3A_282 = arith.subf %get3A_281, %max3A_134 : vector<64x512xf32>
    %exp3A_283 = math.exp %sub3A_282 : vector<64x512xf32>
    %add3A_284 = arith.addf %add3A_271, %exp3A_283 : vector<64x512xf32>
    %eq3A_285 = arith.constant 11 : i32
    %eq3A_286 = vector.broadcast %eq3A_285 : i32 to vector<64x512xi32>
    %eq3A_287 = arith.cmpi eq, %get3A_3, %eq3A_286 : vector<64x512xi32>
    %select_n3A_288 = arith.select %eq3A_287, %get3A_281, %select_n3A_275 : vector<64x512xi1>, vector<64x512xf32>
    %get3A_289 = arith.constant 0 : index
    %get3A_290 = arith.constant 12 : index
    %get3A_291 = arith.constant 0 : index
    %get3A_292 = arith.constant 0 : index
    %get3A_293 = vector.load %arg2[%get3A_289, %get3A_290, %get3A_291, %get3A_292] : memref<1x19x64x512xf32, #tpu.memory_space<vmem>>, vector<1x1x64x512xf32>
    %get3A_294 = vector.shape_cast %get3A_293 : vector<1x1x64x512xf32> to vector<64x512xf32>
    %sub3A_295 = arith.subf %get3A_294, %max3A_134 : vector<64x512xf32>
    %exp3A_296 = math.exp %sub3A_295 : vector<64x512xf32>
    %add3A_297 = arith.addf %add3A_284, %exp3A_296 : vector<64x512xf32>
    %eq3A_298 = arith.constant 12 : i32
    %eq3A_299 = vector.broadcast %eq3A_298 : i32 to vector<64x512xi32>
    %eq3A_300 = arith.cmpi eq, %get3A_3, %eq3A_299 : vector<64x512xi32>
    %select_n3A_301 = arith.select %eq3A_300, %get3A_294, %select_n3A_288 : vector<64x512xi1>, vector<64x512xf32>
    %get3A_302 = arith.constant 0 : index
    %get3A_303 = arith.constant 13 : index
    %get3A_304 = arith.constant 0 : index
    %get3A_305 = arith.constant 0 : index
    %get3A_306 = vector.load %arg2[%get3A_302, %get3A_303, %get3A_304, %get3A_305] : memref<1x19x64x512xf32, #tpu.memory_space<vmem>>, vector<1x1x64x512xf32>
    %get3A_307 = vector.shape_cast %get3A_306 : vector<1x1x64x512xf32> to vector<64x512xf32>
    %sub3A_308 = arith.subf %get3A_307, %max3A_134 : vector<64x512xf32>
    %exp3A_309 = math.exp %sub3A_308 : vector<64x512xf32>
    %add3A_310 = arith.addf %add3A_297, %exp3A_309 : vector<64x512xf32>
    %eq3A_311 = arith.constant 13 : i32
    %eq3A_312 = vector.broadcast %eq3A_311 : i32 to vector<64x512xi32>
    %eq3A_313 = arith.cmpi eq, %get3A_3, %eq3A_312 : vector<64x512xi32>
    %select_n3A_314 = arith.select %eq3A_313, %get3A_307, %select_n3A_301 : vector<64x512xi1>, vector<64x512xf32>
    %get3A_315 = arith.constant 0 : index
    %get3A_316 = arith.constant 14 : index
    %get3A_317 = arith.constant 0 : index
    %get3A_318 = arith.constant 0 : index
    %get3A_319 = vector.load %arg2[%get3A_315, %get3A_316, %get3A_317, %get3A_318] : memref<1x19x64x512xf32, #tpu.memory_space<vmem>>, vector<1x1x64x512xf32>
    %get3A_320 = vector.shape_cast %get3A_319 : vector<1x1x64x512xf32> to vector<64x512xf32>
    %sub3A_321 = arith.subf %get3A_320, %max3A_134 : vector<64x512xf32>
    %exp3A_322 = math.exp %sub3A_321 : vector<64x512xf32>
    %add3A_323 = arith.addf %add3A_310, %exp3A_322 : vector<64x512xf32>
    %eq3A_324 = arith.constant 14 : i32
    %eq3A_325 = vector.broadcast %eq3A_324 : i32 to vector<64x512xi32>
    %eq3A_326 = arith.cmpi eq, %get3A_3, %eq3A_325 : vector<64x512xi32>
    %select_n3A_327 = arith.select %eq3A_326, %get3A_320, %select_n3A_314 : vector<64x512xi1>, vector<64x512xf32>
    %get3A_328 = arith.constant 0 : index
    %get3A_329 = arith.constant 15 : index
    %get3A_330 = arith.constant 0 : index
    %get3A_331 = arith.constant 0 : index
    %get3A_332 = vector.load %arg2[%get3A_328, %get3A_329, %get3A_330, %get3A_331] : memref<1x19x64x512xf32, #tpu.memory_space<vmem>>, vector<1x1x64x512xf32>
    %get3A_333 = vector.shape_cast %get3A_332 : vector<1x1x64x512xf32> to vector<64x512xf32>
    %sub3A_334 = arith.subf %get3A_333, %max3A_134 : vector<64x512xf32>
    %exp3A_335 = math.exp %sub3A_334 : vector<64x512xf32>
    %add3A_336 = arith.addf %add3A_323, %exp3A_335 : vector<64x512xf32>
    %eq3A_337 = arith.constant 15 : i32
    %eq3A_338 = vector.broadcast %eq3A_337 : i32 to vector<64x512xi32>
    %eq3A_339 = arith.cmpi eq, %get3A_3, %eq3A_338 : vector<64x512xi32>
    %select_n3A_340 = arith.select %eq3A_339, %get3A_333, %select_n3A_327 : vector<64x512xi1>, vector<64x512xf32>
    %get3A_341 = arith.constant 0 : index
    %get3A_342 = arith.constant 16 : index
    %get3A_343 = arith.constant 0 : index
    %get3A_344 = arith.constant 0 : index
    %get3A_345 = vector.load %arg2[%get3A_341, %get3A_342, %get3A_343, %get3A_344] : memref<1x19x64x512xf32, #tpu.memory_space<vmem>>, vector<1x1x64x512xf32>
    %get3A_346 = vector.shape_cast %get3A_345 : vector<1x1x64x512xf32> to vector<64x512xf32>
    %sub3A_347 = arith.subf %get3A_346, %max3A_134 : vector<64x512xf32>
    %exp3A_348 = math.exp %sub3A_347 : vector<64x512xf32>
    %add3A_349 = arith.addf %add3A_336, %exp3A_348 : vector<64x512xf32>
    %eq3A_350 = arith.constant 16 : i32
    %eq3A_351 = vector.broadcast %eq3A_350 : i32 to vector<64x512xi32>
    %eq3A_352 = arith.cmpi eq, %get3A_3, %eq3A_351 : vector<64x512xi32>
    %select_n3A_353 = arith.select %eq3A_352, %get3A_346, %select_n3A_340 : vector<64x512xi1>, vector<64x512xf32>
    %get3A_354 = arith.constant 0 : index
    %get3A_355 = arith.constant 17 : index
    %get3A_356 = arith.constant 0 : index
    %get3A_357 = arith.constant 0 : index
    %get3A_358 = vector.load %arg2[%get3A_354, %get3A_355, %get3A_356, %get3A_357] : memref<1x19x64x512xf32, #tpu.memory_space<vmem>>, vector<1x1x64x512xf32>
    %get3A_359 = vector.shape_cast %get3A_358 : vector<1x1x64x512xf32> to vector<64x512xf32>
    %sub3A_360 = arith.subf %get3A_359, %max3A_134 : vector<64x512xf32>
    %exp3A_361 = math.exp %sub3A_360 : vector<64x512xf32>
    %add3A_362 = arith.addf %add3A_349, %exp3A_361 : vector<64x512xf32>
    %eq3A_363 = arith.constant 17 : i32
    %eq3A_364 = vector.broadcast %eq3A_363 : i32 to vector<64x512xi32>
    %eq3A_365 = arith.cmpi eq, %get3A_3, %eq3A_364 : vector<64x512xi32>
    %select_n3A_366 = arith.select %eq3A_365, %get3A_359, %select_n3A_353 : vector<64x512xi1>, vector<64x512xf32>
    %get3A_367 = arith.constant 0 : index
    %get3A_368 = arith.constant 18 : index
    %get3A_369 = arith.constant 0 : index
    %get3A_370 = arith.constant 0 : index
    %get3A_371 = vector.load %arg2[%get3A_367, %get3A_368, %get3A_369, %get3A_370] : memref<1x19x64x512xf32, #tpu.memory_space<vmem>>, vector<1x1x64x512xf32>
    %get3A_372 = vector.shape_cast %get3A_371 : vector<1x1x64x512xf32> to vector<64x512xf32>
    %sub3A_373 = arith.subf %get3A_372, %max3A_134 : vector<64x512xf32>
    %exp3A_374 = math.exp %sub3A_373 : vector<64x512xf32>
    %add3A_375 = arith.addf %add3A_362, %exp3A_374 : vector<64x512xf32>
    %eq3A_376 = arith.constant 18 : i32
    %eq3A_377 = vector.broadcast %eq3A_376 : i32 to vector<64x512xi32>
    %eq3A_378 = arith.cmpi eq, %get3A_3, %eq3A_377 : vector<64x512xi32>
    %select_n3A_379 = arith.select %eq3A_378, %get3A_372, %select_n3A_366 : vector<64x512xi1>, vector<64x512xf32>
    %log3A = math.log %add3A_375 : vector<64x512xf32>
    %add3A_380 = arith.addf %max3A_134, %log3A : vector<64x512xf32>
    %sub3A_381 = arith.subf %add3A_380, %select_n3A_379 : vector<64x512xf32>
    %eq3A_382 = arith.constant 255 : i32
    %eq3A_383 = vector.broadcast %eq3A_382 : i32 to vector<64x512xi32>
    %eq3A_384 = arith.cmpi eq, %get3A_3, %eq3A_383 : vector<64x512xi32>
    %jit3A = arith.constant 0.000000e+00 : f32
    %broadcast_in_dim3A_385 = vector.broadcast %jit3A : f32 to vector<64x512xf32>
    %select_n3A_386 = arith.select %eq3A_384, %broadcast_in_dim3A_385, %sub3A_381 : vector<64x512xi1>, vector<64x512xf32>
    %gt3A = arith.constant 0.356674939 : f32
    %gt3A_387 = vector.broadcast %gt3A : f32 to vector<64x512xf32>
    %gt3A_388 = arith.cmpf ogt, %select_n3A_386, %gt3A_387 : vector<64x512xf32>
    %convert_element_type3A = arith.extui %gt3A_388 : vector<64x512xi1> to vector<64x512xi32>
    %convert_element_type3A_389 = arith.sitofp %convert_element_type3A : vector<64x512xi32> to vector<64x512xf32>
    %reduce_sum3A = vector.shape_cast %convert_element_type3A_389 : vector<64x512xf32> to vector<1x64x512xf32>
    %reduce_sum3A_390 = arith.constant dense<0.000000e+00> : vector<1xf32>
    %reduce_sum3A_391 = vector.multi_reduction <add>, %reduce_sum3A, %reduce_sum3A_390 [1, 2] : vector<1x64x512xf32> to vector<1xf32>
    %reduce_sum3A_392 = vector.shape_cast %reduce_sum3A_391 : vector<1xf32> to vector<1x1x1xf32>
    %reduce_sum3A_393 = vector.extract %reduce_sum3A_392[0, 0, 0] : f32 from vector<1x1x1xf32>
    %jit3A_394 = arith.constant 0.000000e+00 : f32
    %broadcast_in_dim3A_395 = vector.broadcast %jit3A_394 : f32 to vector<64x512xf32>
    %select_n3A_396 = arith.select %gt3A_388, %select_n3A_386, %broadcast_in_dim3A_395 : vector<64x512xi1>, vector<64x512xf32>
    %reduce_sum3A_397 = vector.shape_cast %select_n3A_396 : vector<64x512xf32> to vector<1x64x512xf32>
    %reduce_sum3A_398 = arith.constant dense<0.000000e+00> : vector<1xf32>
    %reduce_sum3A_399 = vector.multi_reduction <add>, %reduce_sum3A_397, %reduce_sum3A_398 [1, 2] : vector<1x64x512xf32> to vector<1xf32>
    %reduce_sum3A_400 = vector.shape_cast %reduce_sum3A_399 : vector<1xf32> to vector<1x1x1xf32>
    %reduce_sum3A_401 = vector.extract %reduce_sum3A_400[0, 0, 0] : f32 from vector<1x1x1xf32>
    %eq3A_402 = arith.constant 0 : i32
    %eq3A_403 = arith.cmpi eq, %arg0, %eq3A_402 : i32
    %eq3A_404 = arith.constant 0 : i32
    %eq3A_405 = arith.cmpi eq, %arg1, %eq3A_404 : i32
    %and3A = arith.andi %eq3A_403, %eq3A_405 : i1
    %convert_element_type3A_406 = arith.extui %and3A : i1 to i32
    %cond3A = arith.constant 0 : i32
    %cond3A_407 = arith.cmpi ne, %convert_element_type3A_406, %cond3A : i32
    scf.if %cond3A_407 {
      %swap3A_417 = arith.constant 0.000000e+00 : f32
      %swap3A_418 = arith.constant 0 : index
      %swap3A_419 = memref.load %arg4[%swap3A_418] : memref<2xf32, #tpu.memory_space<smem>>
      memref.store %swap3A_417, %arg4[%swap3A_418] : memref<2xf32, #tpu.memory_space<smem>>
      %swap3A_420 = arith.constant 0.000000e+00 : f32
      %swap3A_421 = arith.constant 1 : index
      %swap3A_422 = memref.load %arg4[%swap3A_421] : memref<2xf32, #tpu.memory_space<smem>>
      memref.store %swap3A_420, %arg4[%swap3A_421] : memref<2xf32, #tpu.memory_space<smem>>
    } else {
    }
    %get3A_408 = arith.constant 0 : index
    %get3A_409 = memref.load %arg4[%get3A_408] : memref<2xf32, #tpu.memory_space<smem>>
    %add3A_410 = arith.addf %get3A_409, %reduce_sum3A_393 : f32
    %swap3A = arith.constant 0 : index
    %swap3A_411 = memref.load %arg4[%swap3A] : memref<2xf32, #tpu.memory_space<smem>>
    memref.store %add3A_410, %arg4[%swap3A] : memref<2xf32, #tpu.memory_space<smem>>
    %get3A_412 = arith.constant 1 : index
    %get3A_413 = memref.load %arg4[%get3A_412] : memref<2xf32, #tpu.memory_space<smem>>
    %add3A_414 = arith.addf %get3A_413, %reduce_sum3A_401 : f32
    %swap3A_415 = arith.constant 1 : index
    %swap3A_416 = memref.load %arg4[%swap3A_415] : memref<2xf32, #tpu.memory_space<smem>>
    memref.store %add3A_414, %arg4[%swap3A_415] : memref<2xf32, #tpu.memory_space<smem>>
    return
  }
  func.func @transform_0(%arg0: i32, %arg1: i32) -> (i32, i32, i32, i32) {
    %c0_i32 = arith.constant 0 : i32
    %c0_i32_0 = arith.constant 0 : i32
    %c0_i32_1 = arith.constant 0 : i32
    return %arg0, %c0_i32, %arg1, %c0_i32_0 : i32, i32, i32, i32
  }
  func.func @transform_1(%arg0: i32, %arg1: i32) -> (i32, i32, i32) {
    %c0_i32 = arith.constant 0 : i32
    %c0_i32_0 = arith.constant 0 : i32
    return %arg0, %arg1, %c0_i32 : i32, i32, i32
  }
  func.func @transform_2(%arg0: i32, %arg1: i32) -> i32 {
    %c0_i32 = arith.constant 0 : i32
    %c0_i32_0 = arith.constant 0 : i32
    return %c0_i32 : i32
  }
}

module attributes {stable_mosaic.version = 14 : i64} {
  func.func @_ce_loss_body(%arg0: i32, %arg1: i32, %arg2: memref<1x19x64x512xf32, #tpu.memory_space<vmem>>, %arg3: memref<1x64x512xi32, #tpu.memory_space<vmem>>, %arg4: memref<1x64x512xf32, #tpu.memory_space<vmem>>) attributes {dimension_semantics = [#tpu.dimension_semantics<arbitrary>, #tpu.dimension_semantics<arbitrary>], iteration_bounds = array<i64: 8, 8>, scalar_prefetch = 0 : i64, scratch_operands = 0 : i64, tpu.core_type = #tpu.core_type<tc>, window_params = [{transform_indices = @transform_0, window_bounds = array<i64: 1, 19, 64, 512>}, {transform_indices = @transform_1, window_bounds = array<i64: 1, 64, 512>}, {transform_indices = @transform_2, window_bounds = array<i64: 1, 64, 512>}]} {
    %get3A = arith.constant 0 : index
    %get3A_0 = arith.constant 0 : index
    %get3A_1 = arith.constant 0 : index
    %get3A_2 = vector.load %arg3[%get3A, %get3A_0, %get3A_1] : memref<1x64x512xi32, #tpu.memory_space<vmem>>, vector<1x64x512xi32>
    %get3A_3 = vector.shape_cast %get3A_2 : vector<1x64x512xi32> to vector<64x512xi32>
    %get3A_4 = arith.constant 0 : index
    %get3A_5 = arith.constant 0 : index
    %get3A_6 = arith.constant 0 : index
    %get3A_7 = arith.constant 0 : index
    %get3A_8 = vector.load %arg2[%get3A_4, %get3A_5, %get3A_6, %get3A_7] : memref<1x19x64x512xf32, #tpu.memory_space<vmem>>, vector<1x1x64x512xf32>
    %get3A_9 = vector.shape_cast %get3A_8 : vector<1x1x64x512xf32> to vector<64x512xf32>
    %get3A_10 = arith.constant 0 : index
    %get3A_11 = arith.constant 1 : index
    %get3A_12 = arith.constant 0 : index
    %get3A_13 = arith.constant 0 : index
    %get3A_14 = vector.load %arg2[%get3A_10, %get3A_11, %get3A_12, %get3A_13] : memref<1x19x64x512xf32, #tpu.memory_space<vmem>>, vector<1x1x64x512xf32>
    %get3A_15 = vector.shape_cast %get3A_14 : vector<1x1x64x512xf32> to vector<64x512xf32>
    %max3A = arith.maximumf %get3A_9, %get3A_15 : vector<64x512xf32>
    %get3A_16 = arith.constant 0 : index
    %get3A_17 = arith.constant 2 : index
    %get3A_18 = arith.constant 0 : index
    %get3A_19 = arith.constant 0 : index
    %get3A_20 = vector.load %arg2[%get3A_16, %get3A_17, %get3A_18, %get3A_19] : memref<1x19x64x512xf32, #tpu.memory_space<vmem>>, vector<1x1x64x512xf32>
    %get3A_21 = vector.shape_cast %get3A_20 : vector<1x1x64x512xf32> to vector<64x512xf32>
    %max3A_22 = arith.maximumf %max3A, %get3A_21 : vector<64x512xf32>
    %get3A_23 = arith.constant 0 : index
    %get3A_24 = arith.constant 3 : index
    %get3A_25 = arith.constant 0 : index
    %get3A_26 = arith.constant 0 : index
    %get3A_27 = vector.load %arg2[%get3A_23, %get3A_24, %get3A_25, %get3A_26] : memref<1x19x64x512xf32, #tpu.memory_space<vmem>>, vector<1x1x64x512xf32>
    %get3A_28 = vector.shape_cast %get3A_27 : vector<1x1x64x512xf32> to vector<64x512xf32>
    %max3A_29 = arith.maximumf %max3A_22, %get3A_28 : vector<64x512xf32>
    %get3A_30 = arith.constant 0 : index
    %get3A_31 = arith.constant 4 : index
    %get3A_32 = arith.constant 0 : index
    %get3A_33 = arith.constant 0 : index
    %get3A_34 = vector.load %arg2[%get3A_30, %get3A_31, %get3A_32, %get3A_33] : memref<1x19x64x512xf32, #tpu.memory_space<vmem>>, vector<1x1x64x512xf32>
    %get3A_35 = vector.shape_cast %get3A_34 : vector<1x1x64x512xf32> to vector<64x512xf32>
    %max3A_36 = arith.maximumf %max3A_29, %get3A_35 : vector<64x512xf32>
    %get3A_37 = arith.constant 0 : index
    %get3A_38 = arith.constant 5 : index
    %get3A_39 = arith.constant 0 : index
    %get3A_40 = arith.constant 0 : index
    %get3A_41 = vector.load %arg2[%get3A_37, %get3A_38, %get3A_39, %get3A_40] : memref<1x19x64x512xf32, #tpu.memory_space<vmem>>, vector<1x1x64x512xf32>
    %get3A_42 = vector.shape_cast %get3A_41 : vector<1x1x64x512xf32> to vector<64x512xf32>
    %max3A_43 = arith.maximumf %max3A_36, %get3A_42 : vector<64x512xf32>
    %get3A_44 = arith.constant 0 : index
    %get3A_45 = arith.constant 6 : index
    %get3A_46 = arith.constant 0 : index
    %get3A_47 = arith.constant 0 : index
    %get3A_48 = vector.load %arg2[%get3A_44, %get3A_45, %get3A_46, %get3A_47] : memref<1x19x64x512xf32, #tpu.memory_space<vmem>>, vector<1x1x64x512xf32>
    %get3A_49 = vector.shape_cast %get3A_48 : vector<1x1x64x512xf32> to vector<64x512xf32>
    %max3A_50 = arith.maximumf %max3A_43, %get3A_49 : vector<64x512xf32>
    %get3A_51 = arith.constant 0 : index
    %get3A_52 = arith.constant 7 : index
    %get3A_53 = arith.constant 0 : index
    %get3A_54 = arith.constant 0 : index
    %get3A_55 = vector.load %arg2[%get3A_51, %get3A_52, %get3A_53, %get3A_54] : memref<1x19x64x512xf32, #tpu.memory_space<vmem>>, vector<1x1x64x512xf32>
    %get3A_56 = vector.shape_cast %get3A_55 : vector<1x1x64x512xf32> to vector<64x512xf32>
    %max3A_57 = arith.maximumf %max3A_50, %get3A_56 : vector<64x512xf32>
    %get3A_58 = arith.constant 0 : index
    %get3A_59 = arith.constant 8 : index
    %get3A_60 = arith.constant 0 : index
    %get3A_61 = arith.constant 0 : index
    %get3A_62 = vector.load %arg2[%get3A_58, %get3A_59, %get3A_60, %get3A_61] : memref<1x19x64x512xf32, #tpu.memory_space<vmem>>, vector<1x1x64x512xf32>
    %get3A_63 = vector.shape_cast %get3A_62 : vector<1x1x64x512xf32> to vector<64x512xf32>
    %max3A_64 = arith.maximumf %max3A_57, %get3A_63 : vector<64x512xf32>
    %get3A_65 = arith.constant 0 : index
    %get3A_66 = arith.constant 9 : index
    %get3A_67 = arith.constant 0 : index
    %get3A_68 = arith.constant 0 : index
    %get3A_69 = vector.load %arg2[%get3A_65, %get3A_66, %get3A_67, %get3A_68] : memref<1x19x64x512xf32, #tpu.memory_space<vmem>>, vector<1x1x64x512xf32>
    %get3A_70 = vector.shape_cast %get3A_69 : vector<1x1x64x512xf32> to vector<64x512xf32>
    %max3A_71 = arith.maximumf %max3A_64, %get3A_70 : vector<64x512xf32>
    %get3A_72 = arith.constant 0 : index
    %get3A_73 = arith.constant 10 : index
    %get3A_74 = arith.constant 0 : index
    %get3A_75 = arith.constant 0 : index
    %get3A_76 = vector.load %arg2[%get3A_72, %get3A_73, %get3A_74, %get3A_75] : memref<1x19x64x512xf32, #tpu.memory_space<vmem>>, vector<1x1x64x512xf32>
    %get3A_77 = vector.shape_cast %get3A_76 : vector<1x1x64x512xf32> to vector<64x512xf32>
    %max3A_78 = arith.maximumf %max3A_71, %get3A_77 : vector<64x512xf32>
    %get3A_79 = arith.constant 0 : index
    %get3A_80 = arith.constant 11 : index
    %get3A_81 = arith.constant 0 : index
    %get3A_82 = arith.constant 0 : index
    %get3A_83 = vector.load %arg2[%get3A_79, %get3A_80, %get3A_81, %get3A_82] : memref<1x19x64x512xf32, #tpu.memory_space<vmem>>, vector<1x1x64x512xf32>
    %get3A_84 = vector.shape_cast %get3A_83 : vector<1x1x64x512xf32> to vector<64x512xf32>
    %max3A_85 = arith.maximumf %max3A_78, %get3A_84 : vector<64x512xf32>
    %get3A_86 = arith.constant 0 : index
    %get3A_87 = arith.constant 12 : index
    %get3A_88 = arith.constant 0 : index
    %get3A_89 = arith.constant 0 : index
    %get3A_90 = vector.load %arg2[%get3A_86, %get3A_87, %get3A_88, %get3A_89] : memref<1x19x64x512xf32, #tpu.memory_space<vmem>>, vector<1x1x64x512xf32>
    %get3A_91 = vector.shape_cast %get3A_90 : vector<1x1x64x512xf32> to vector<64x512xf32>
    %max3A_92 = arith.maximumf %max3A_85, %get3A_91 : vector<64x512xf32>
    %get3A_93 = arith.constant 0 : index
    %get3A_94 = arith.constant 13 : index
    %get3A_95 = arith.constant 0 : index
    %get3A_96 = arith.constant 0 : index
    %get3A_97 = vector.load %arg2[%get3A_93, %get3A_94, %get3A_95, %get3A_96] : memref<1x19x64x512xf32, #tpu.memory_space<vmem>>, vector<1x1x64x512xf32>
    %get3A_98 = vector.shape_cast %get3A_97 : vector<1x1x64x512xf32> to vector<64x512xf32>
    %max3A_99 = arith.maximumf %max3A_92, %get3A_98 : vector<64x512xf32>
    %get3A_100 = arith.constant 0 : index
    %get3A_101 = arith.constant 14 : index
    %get3A_102 = arith.constant 0 : index
    %get3A_103 = arith.constant 0 : index
    %get3A_104 = vector.load %arg2[%get3A_100, %get3A_101, %get3A_102, %get3A_103] : memref<1x19x64x512xf32, #tpu.memory_space<vmem>>, vector<1x1x64x512xf32>
    %get3A_105 = vector.shape_cast %get3A_104 : vector<1x1x64x512xf32> to vector<64x512xf32>
    %max3A_106 = arith.maximumf %max3A_99, %get3A_105 : vector<64x512xf32>
    %get3A_107 = arith.constant 0 : index
    %get3A_108 = arith.constant 15 : index
    %get3A_109 = arith.constant 0 : index
    %get3A_110 = arith.constant 0 : index
    %get3A_111 = vector.load %arg2[%get3A_107, %get3A_108, %get3A_109, %get3A_110] : memref<1x19x64x512xf32, #tpu.memory_space<vmem>>, vector<1x1x64x512xf32>
    %get3A_112 = vector.shape_cast %get3A_111 : vector<1x1x64x512xf32> to vector<64x512xf32>
    %max3A_113 = arith.maximumf %max3A_106, %get3A_112 : vector<64x512xf32>
    %get3A_114 = arith.constant 0 : index
    %get3A_115 = arith.constant 16 : index
    %get3A_116 = arith.constant 0 : index
    %get3A_117 = arith.constant 0 : index
    %get3A_118 = vector.load %arg2[%get3A_114, %get3A_115, %get3A_116, %get3A_117] : memref<1x19x64x512xf32, #tpu.memory_space<vmem>>, vector<1x1x64x512xf32>
    %get3A_119 = vector.shape_cast %get3A_118 : vector<1x1x64x512xf32> to vector<64x512xf32>
    %max3A_120 = arith.maximumf %max3A_113, %get3A_119 : vector<64x512xf32>
    %get3A_121 = arith.constant 0 : index
    %get3A_122 = arith.constant 17 : index
    %get3A_123 = arith.constant 0 : index
    %get3A_124 = arith.constant 0 : index
    %get3A_125 = vector.load %arg2[%get3A_121, %get3A_122, %get3A_123, %get3A_124] : memref<1x19x64x512xf32, #tpu.memory_space<vmem>>, vector<1x1x64x512xf32>
    %get3A_126 = vector.shape_cast %get3A_125 : vector<1x1x64x512xf32> to vector<64x512xf32>
    %max3A_127 = arith.maximumf %max3A_120, %get3A_126 : vector<64x512xf32>
    %get3A_128 = arith.constant 0 : index
    %get3A_129 = arith.constant 18 : index
    %get3A_130 = arith.constant 0 : index
    %get3A_131 = arith.constant 0 : index
    %get3A_132 = vector.load %arg2[%get3A_128, %get3A_129, %get3A_130, %get3A_131] : memref<1x19x64x512xf32, #tpu.memory_space<vmem>>, vector<1x1x64x512xf32>
    %get3A_133 = vector.shape_cast %get3A_132 : vector<1x1x64x512xf32> to vector<64x512xf32>
    %max3A_134 = arith.maximumf %max3A_127, %get3A_133 : vector<64x512xf32>
    %broadcast_in_dim3A = arith.constant 0.000000e+00 : f32
    %broadcast_in_dim3A_135 = vector.broadcast %broadcast_in_dim3A : f32 to vector<64x512xf32>
    %broadcast_in_dim3A_136 = arith.constant 0.000000e+00 : f32
    %broadcast_in_dim3A_137 = vector.broadcast %broadcast_in_dim3A_136 : f32 to vector<64x512xf32>
    %get3A_138 = arith.constant 0 : index
    %get3A_139 = arith.constant 0 : index
    %get3A_140 = arith.constant 0 : index
    %get3A_141 = arith.constant 0 : index
    %get3A_142 = vector.load %arg2[%get3A_138, %get3A_139, %get3A_140, %get3A_141] : memref<1x19x64x512xf32, #tpu.memory_space<vmem>>, vector<1x1x64x512xf32>
    %get3A_143 = vector.shape_cast %get3A_142 : vector<1x1x64x512xf32> to vector<64x512xf32>
    %sub3A = arith.subf %get3A_143, %max3A_134 : vector<64x512xf32>
    %exp3A = math.exp %sub3A : vector<64x512xf32>
    %add3A = arith.addf %broadcast_in_dim3A_135, %exp3A : vector<64x512xf32>
    %eq3A = arith.constant 0 : i32
    %eq3A_144 = vector.broadcast %eq3A : i32 to vector<64x512xi32>
    %eq3A_145 = arith.cmpi eq, %get3A_3, %eq3A_144 : vector<64x512xi32>
    %select_n3A = arith.select %eq3A_145, %get3A_143, %broadcast_in_dim3A_137 : vector<64x512xi1>, vector<64x512xf32>
    %get3A_146 = arith.constant 0 : index
    %get3A_147 = arith.constant 1 : index
    %get3A_148 = arith.constant 0 : index
    %get3A_149 = arith.constant 0 : index
    %get3A_150 = vector.load %arg2[%get3A_146, %get3A_147, %get3A_148, %get3A_149] : memref<1x19x64x512xf32, #tpu.memory_space<vmem>>, vector<1x1x64x512xf32>
    %get3A_151 = vector.shape_cast %get3A_150 : vector<1x1x64x512xf32> to vector<64x512xf32>
    %sub3A_152 = arith.subf %get3A_151, %max3A_134 : vector<64x512xf32>
    %exp3A_153 = math.exp %sub3A_152 : vector<64x512xf32>
    %add3A_154 = arith.addf %add3A, %exp3A_153 : vector<64x512xf32>
    %eq3A_155 = arith.constant 1 : i32
    %eq3A_156 = vector.broadcast %eq3A_155 : i32 to vector<64x512xi32>
    %eq3A_157 = arith.cmpi eq, %get3A_3, %eq3A_156 : vector<64x512xi32>
    %select_n3A_158 = arith.select %eq3A_157, %get3A_151, %select_n3A : vector<64x512xi1>, vector<64x512xf32>
    %get3A_159 = arith.constant 0 : index
    %get3A_160 = arith.constant 2 : index
    %get3A_161 = arith.constant 0 : index
    %get3A_162 = arith.constant 0 : index
    %get3A_163 = vector.load %arg2[%get3A_159, %get3A_160, %get3A_161, %get3A_162] : memref<1x19x64x512xf32, #tpu.memory_space<vmem>>, vector<1x1x64x512xf32>
    %get3A_164 = vector.shape_cast %get3A_163 : vector<1x1x64x512xf32> to vector<64x512xf32>
    %sub3A_165 = arith.subf %get3A_164, %max3A_134 : vector<64x512xf32>
    %exp3A_166 = math.exp %sub3A_165 : vector<64x512xf32>
    %add3A_167 = arith.addf %add3A_154, %exp3A_166 : vector<64x512xf32>
    %eq3A_168 = arith.constant 2 : i32
    %eq3A_169 = vector.broadcast %eq3A_168 : i32 to vector<64x512xi32>
    %eq3A_170 = arith.cmpi eq, %get3A_3, %eq3A_169 : vector<64x512xi32>
    %select_n3A_171 = arith.select %eq3A_170, %get3A_164, %select_n3A_158 : vector<64x512xi1>, vector<64x512xf32>
    %get3A_172 = arith.constant 0 : index
    %get3A_173 = arith.constant 3 : index
    %get3A_174 = arith.constant 0 : index
    %get3A_175 = arith.constant 0 : index
    %get3A_176 = vector.load %arg2[%get3A_172, %get3A_173, %get3A_174, %get3A_175] : memref<1x19x64x512xf32, #tpu.memory_space<vmem>>, vector<1x1x64x512xf32>
    %get3A_177 = vector.shape_cast %get3A_176 : vector<1x1x64x512xf32> to vector<64x512xf32>
    %sub3A_178 = arith.subf %get3A_177, %max3A_134 : vector<64x512xf32>
    %exp3A_179 = math.exp %sub3A_178 : vector<64x512xf32>
    %add3A_180 = arith.addf %add3A_167, %exp3A_179 : vector<64x512xf32>
    %eq3A_181 = arith.constant 3 : i32
    %eq3A_182 = vector.broadcast %eq3A_181 : i32 to vector<64x512xi32>
    %eq3A_183 = arith.cmpi eq, %get3A_3, %eq3A_182 : vector<64x512xi32>
    %select_n3A_184 = arith.select %eq3A_183, %get3A_177, %select_n3A_171 : vector<64x512xi1>, vector<64x512xf32>
    %get3A_185 = arith.constant 0 : index
    %get3A_186 = arith.constant 4 : index
    %get3A_187 = arith.constant 0 : index
    %get3A_188 = arith.constant 0 : index
    %get3A_189 = vector.load %arg2[%get3A_185, %get3A_186, %get3A_187, %get3A_188] : memref<1x19x64x512xf32, #tpu.memory_space<vmem>>, vector<1x1x64x512xf32>
    %get3A_190 = vector.shape_cast %get3A_189 : vector<1x1x64x512xf32> to vector<64x512xf32>
    %sub3A_191 = arith.subf %get3A_190, %max3A_134 : vector<64x512xf32>
    %exp3A_192 = math.exp %sub3A_191 : vector<64x512xf32>
    %add3A_193 = arith.addf %add3A_180, %exp3A_192 : vector<64x512xf32>
    %eq3A_194 = arith.constant 4 : i32
    %eq3A_195 = vector.broadcast %eq3A_194 : i32 to vector<64x512xi32>
    %eq3A_196 = arith.cmpi eq, %get3A_3, %eq3A_195 : vector<64x512xi32>
    %select_n3A_197 = arith.select %eq3A_196, %get3A_190, %select_n3A_184 : vector<64x512xi1>, vector<64x512xf32>
    %get3A_198 = arith.constant 0 : index
    %get3A_199 = arith.constant 5 : index
    %get3A_200 = arith.constant 0 : index
    %get3A_201 = arith.constant 0 : index
    %get3A_202 = vector.load %arg2[%get3A_198, %get3A_199, %get3A_200, %get3A_201] : memref<1x19x64x512xf32, #tpu.memory_space<vmem>>, vector<1x1x64x512xf32>
    %get3A_203 = vector.shape_cast %get3A_202 : vector<1x1x64x512xf32> to vector<64x512xf32>
    %sub3A_204 = arith.subf %get3A_203, %max3A_134 : vector<64x512xf32>
    %exp3A_205 = math.exp %sub3A_204 : vector<64x512xf32>
    %add3A_206 = arith.addf %add3A_193, %exp3A_205 : vector<64x512xf32>
    %eq3A_207 = arith.constant 5 : i32
    %eq3A_208 = vector.broadcast %eq3A_207 : i32 to vector<64x512xi32>
    %eq3A_209 = arith.cmpi eq, %get3A_3, %eq3A_208 : vector<64x512xi32>
    %select_n3A_210 = arith.select %eq3A_209, %get3A_203, %select_n3A_197 : vector<64x512xi1>, vector<64x512xf32>
    %get3A_211 = arith.constant 0 : index
    %get3A_212 = arith.constant 6 : index
    %get3A_213 = arith.constant 0 : index
    %get3A_214 = arith.constant 0 : index
    %get3A_215 = vector.load %arg2[%get3A_211, %get3A_212, %get3A_213, %get3A_214] : memref<1x19x64x512xf32, #tpu.memory_space<vmem>>, vector<1x1x64x512xf32>
    %get3A_216 = vector.shape_cast %get3A_215 : vector<1x1x64x512xf32> to vector<64x512xf32>
    %sub3A_217 = arith.subf %get3A_216, %max3A_134 : vector<64x512xf32>
    %exp3A_218 = math.exp %sub3A_217 : vector<64x512xf32>
    %add3A_219 = arith.addf %add3A_206, %exp3A_218 : vector<64x512xf32>
    %eq3A_220 = arith.constant 6 : i32
    %eq3A_221 = vector.broadcast %eq3A_220 : i32 to vector<64x512xi32>
    %eq3A_222 = arith.cmpi eq, %get3A_3, %eq3A_221 : vector<64x512xi32>
    %select_n3A_223 = arith.select %eq3A_222, %get3A_216, %select_n3A_210 : vector<64x512xi1>, vector<64x512xf32>
    %get3A_224 = arith.constant 0 : index
    %get3A_225 = arith.constant 7 : index
    %get3A_226 = arith.constant 0 : index
    %get3A_227 = arith.constant 0 : index
    %get3A_228 = vector.load %arg2[%get3A_224, %get3A_225, %get3A_226, %get3A_227] : memref<1x19x64x512xf32, #tpu.memory_space<vmem>>, vector<1x1x64x512xf32>
    %get3A_229 = vector.shape_cast %get3A_228 : vector<1x1x64x512xf32> to vector<64x512xf32>
    %sub3A_230 = arith.subf %get3A_229, %max3A_134 : vector<64x512xf32>
    %exp3A_231 = math.exp %sub3A_230 : vector<64x512xf32>
    %add3A_232 = arith.addf %add3A_219, %exp3A_231 : vector<64x512xf32>
    %eq3A_233 = arith.constant 7 : i32
    %eq3A_234 = vector.broadcast %eq3A_233 : i32 to vector<64x512xi32>
    %eq3A_235 = arith.cmpi eq, %get3A_3, %eq3A_234 : vector<64x512xi32>
    %select_n3A_236 = arith.select %eq3A_235, %get3A_229, %select_n3A_223 : vector<64x512xi1>, vector<64x512xf32>
    %get3A_237 = arith.constant 0 : index
    %get3A_238 = arith.constant 8 : index
    %get3A_239 = arith.constant 0 : index
    %get3A_240 = arith.constant 0 : index
    %get3A_241 = vector.load %arg2[%get3A_237, %get3A_238, %get3A_239, %get3A_240] : memref<1x19x64x512xf32, #tpu.memory_space<vmem>>, vector<1x1x64x512xf32>
    %get3A_242 = vector.shape_cast %get3A_241 : vector<1x1x64x512xf32> to vector<64x512xf32>
    %sub3A_243 = arith.subf %get3A_242, %max3A_134 : vector<64x512xf32>
    %exp3A_244 = math.exp %sub3A_243 : vector<64x512xf32>
    %add3A_245 = arith.addf %add3A_232, %exp3A_244 : vector<64x512xf32>
    %eq3A_246 = arith.constant 8 : i32
    %eq3A_247 = vector.broadcast %eq3A_246 : i32 to vector<64x512xi32>
    %eq3A_248 = arith.cmpi eq, %get3A_3, %eq3A_247 : vector<64x512xi32>
    %select_n3A_249 = arith.select %eq3A_248, %get3A_242, %select_n3A_236 : vector<64x512xi1>, vector<64x512xf32>
    %get3A_250 = arith.constant 0 : index
    %get3A_251 = arith.constant 9 : index
    %get3A_252 = arith.constant 0 : index
    %get3A_253 = arith.constant 0 : index
    %get3A_254 = vector.load %arg2[%get3A_250, %get3A_251, %get3A_252, %get3A_253] : memref<1x19x64x512xf32, #tpu.memory_space<vmem>>, vector<1x1x64x512xf32>
    %get3A_255 = vector.shape_cast %get3A_254 : vector<1x1x64x512xf32> to vector<64x512xf32>
    %sub3A_256 = arith.subf %get3A_255, %max3A_134 : vector<64x512xf32>
    %exp3A_257 = math.exp %sub3A_256 : vector<64x512xf32>
    %add3A_258 = arith.addf %add3A_245, %exp3A_257 : vector<64x512xf32>
    %eq3A_259 = arith.constant 9 : i32
    %eq3A_260 = vector.broadcast %eq3A_259 : i32 to vector<64x512xi32>
    %eq3A_261 = arith.cmpi eq, %get3A_3, %eq3A_260 : vector<64x512xi32>
    %select_n3A_262 = arith.select %eq3A_261, %get3A_255, %select_n3A_249 : vector<64x512xi1>, vector<64x512xf32>
    %get3A_263 = arith.constant 0 : index
    %get3A_264 = arith.constant 10 : index
    %get3A_265 = arith.constant 0 : index
    %get3A_266 = arith.constant 0 : index
    %get3A_267 = vector.load %arg2[%get3A_263, %get3A_264, %get3A_265, %get3A_266] : memref<1x19x64x512xf32, #tpu.memory_space<vmem>>, vector<1x1x64x512xf32>
    %get3A_268 = vector.shape_cast %get3A_267 : vector<1x1x64x512xf32> to vector<64x512xf32>
    %sub3A_269 = arith.subf %get3A_268, %max3A_134 : vector<64x512xf32>
    %exp3A_270 = math.exp %sub3A_269 : vector<64x512xf32>
    %add3A_271 = arith.addf %add3A_258, %exp3A_270 : vector<64x512xf32>
    %eq3A_272 = arith.constant 10 : i32
    %eq3A_273 = vector.broadcast %eq3A_272 : i32 to vector<64x512xi32>
    %eq3A_274 = arith.cmpi eq, %get3A_3, %eq3A_273 : vector<64x512xi32>
    %select_n3A_275 = arith.select %eq3A_274, %get3A_268, %select_n3A_262 : vector<64x512xi1>, vector<64x512xf32>
    %get3A_276 = arith.constant 0 : index
    %get3A_277 = arith.constant 11 : index
    %get3A_278 = arith.constant 0 : index
    %get3A_279 = arith.constant 0 : index
    %get3A_280 = vector.load %arg2[%get3A_276, %get3A_277, %get3A_278, %get3A_279] : memref<1x19x64x512xf32, #tpu.memory_space<vmem>>, vector<1x1x64x512xf32>
    %get3A_281 = vector.shape_cast %get3A_280 : vector<1x1x64x512xf32> to vector<64x512xf32>
    %sub3A_282 = arith.subf %get3A_281, %max3A_134 : vector<64x512xf32>
    %exp3A_283 = math.exp %sub3A_282 : vector<64x512xf32>
    %add3A_284 = arith.addf %add3A_271, %exp3A_283 : vector<64x512xf32>
    %eq3A_285 = arith.constant 11 : i32
    %eq3A_286 = vector.broadcast %eq3A_285 : i32 to vector<64x512xi32>
    %eq3A_287 = arith.cmpi eq, %get3A_3, %eq3A_286 : vector<64x512xi32>
    %select_n3A_288 = arith.select %eq3A_287, %get3A_281, %select_n3A_275 : vector<64x512xi1>, vector<64x512xf32>
    %get3A_289 = arith.constant 0 : index
    %get3A_290 = arith.constant 12 : index
    %get3A_291 = arith.constant 0 : index
    %get3A_292 = arith.constant 0 : index
    %get3A_293 = vector.load %arg2[%get3A_289, %get3A_290, %get3A_291, %get3A_292] : memref<1x19x64x512xf32, #tpu.memory_space<vmem>>, vector<1x1x64x512xf32>
    %get3A_294 = vector.shape_cast %get3A_293 : vector<1x1x64x512xf32> to vector<64x512xf32>
    %sub3A_295 = arith.subf %get3A_294, %max3A_134 : vector<64x512xf32>
    %exp3A_296 = math.exp %sub3A_295 : vector<64x512xf32>
    %add3A_297 = arith.addf %add3A_284, %exp3A_296 : vector<64x512xf32>
    %eq3A_298 = arith.constant 12 : i32
    %eq3A_299 = vector.broadcast %eq3A_298 : i32 to vector<64x512xi32>
    %eq3A_300 = arith.cmpi eq, %get3A_3, %eq3A_299 : vector<64x512xi32>
    %select_n3A_301 = arith.select %eq3A_300, %get3A_294, %select_n3A_288 : vector<64x512xi1>, vector<64x512xf32>
    %get3A_302 = arith.constant 0 : index
    %get3A_303 = arith.constant 13 : index
    %get3A_304 = arith.constant 0 : index
    %get3A_305 = arith.constant 0 : index
    %get3A_306 = vector.load %arg2[%get3A_302, %get3A_303, %get3A_304, %get3A_305] : memref<1x19x64x512xf32, #tpu.memory_space<vmem>>, vector<1x1x64x512xf32>
    %get3A_307 = vector.shape_cast %get3A_306 : vector<1x1x64x512xf32> to vector<64x512xf32>
    %sub3A_308 = arith.subf %get3A_307, %max3A_134 : vector<64x512xf32>
    %exp3A_309 = math.exp %sub3A_308 : vector<64x512xf32>
    %add3A_310 = arith.addf %add3A_297, %exp3A_309 : vector<64x512xf32>
    %eq3A_311 = arith.constant 13 : i32
    %eq3A_312 = vector.broadcast %eq3A_311 : i32 to vector<64x512xi32>
    %eq3A_313 = arith.cmpi eq, %get3A_3, %eq3A_312 : vector<64x512xi32>
    %select_n3A_314 = arith.select %eq3A_313, %get3A_307, %select_n3A_301 : vector<64x512xi1>, vector<64x512xf32>
    %get3A_315 = arith.constant 0 : index
    %get3A_316 = arith.constant 14 : index
    %get3A_317 = arith.constant 0 : index
    %get3A_318 = arith.constant 0 : index
    %get3A_319 = vector.load %arg2[%get3A_315, %get3A_316, %get3A_317, %get3A_318] : memref<1x19x64x512xf32, #tpu.memory_space<vmem>>, vector<1x1x64x512xf32>
    %get3A_320 = vector.shape_cast %get3A_319 : vector<1x1x64x512xf32> to vector<64x512xf32>
    %sub3A_321 = arith.subf %get3A_320, %max3A_134 : vector<64x512xf32>
    %exp3A_322 = math.exp %sub3A_321 : vector<64x512xf32>
    %add3A_323 = arith.addf %add3A_310, %exp3A_322 : vector<64x512xf32>
    %eq3A_324 = arith.constant 14 : i32
    %eq3A_325 = vector.broadcast %eq3A_324 : i32 to vector<64x512xi32>
    %eq3A_326 = arith.cmpi eq, %get3A_3, %eq3A_325 : vector<64x512xi32>
    %select_n3A_327 = arith.select %eq3A_326, %get3A_320, %select_n3A_314 : vector<64x512xi1>, vector<64x512xf32>
    %get3A_328 = arith.constant 0 : index
    %get3A_329 = arith.constant 15 : index
    %get3A_330 = arith.constant 0 : index
    %get3A_331 = arith.constant 0 : index
    %get3A_332 = vector.load %arg2[%get3A_328, %get3A_329, %get3A_330, %get3A_331] : memref<1x19x64x512xf32, #tpu.memory_space<vmem>>, vector<1x1x64x512xf32>
    %get3A_333 = vector.shape_cast %get3A_332 : vector<1x1x64x512xf32> to vector<64x512xf32>
    %sub3A_334 = arith.subf %get3A_333, %max3A_134 : vector<64x512xf32>
    %exp3A_335 = math.exp %sub3A_334 : vector<64x512xf32>
    %add3A_336 = arith.addf %add3A_323, %exp3A_335 : vector<64x512xf32>
    %eq3A_337 = arith.constant 15 : i32
    %eq3A_338 = vector.broadcast %eq3A_337 : i32 to vector<64x512xi32>
    %eq3A_339 = arith.cmpi eq, %get3A_3, %eq3A_338 : vector<64x512xi32>
    %select_n3A_340 = arith.select %eq3A_339, %get3A_333, %select_n3A_327 : vector<64x512xi1>, vector<64x512xf32>
    %get3A_341 = arith.constant 0 : index
    %get3A_342 = arith.constant 16 : index
    %get3A_343 = arith.constant 0 : index
    %get3A_344 = arith.constant 0 : index
    %get3A_345 = vector.load %arg2[%get3A_341, %get3A_342, %get3A_343, %get3A_344] : memref<1x19x64x512xf32, #tpu.memory_space<vmem>>, vector<1x1x64x512xf32>
    %get3A_346 = vector.shape_cast %get3A_345 : vector<1x1x64x512xf32> to vector<64x512xf32>
    %sub3A_347 = arith.subf %get3A_346, %max3A_134 : vector<64x512xf32>
    %exp3A_348 = math.exp %sub3A_347 : vector<64x512xf32>
    %add3A_349 = arith.addf %add3A_336, %exp3A_348 : vector<64x512xf32>
    %eq3A_350 = arith.constant 16 : i32
    %eq3A_351 = vector.broadcast %eq3A_350 : i32 to vector<64x512xi32>
    %eq3A_352 = arith.cmpi eq, %get3A_3, %eq3A_351 : vector<64x512xi32>
    %select_n3A_353 = arith.select %eq3A_352, %get3A_346, %select_n3A_340 : vector<64x512xi1>, vector<64x512xf32>
    %get3A_354 = arith.constant 0 : index
    %get3A_355 = arith.constant 17 : index
    %get3A_356 = arith.constant 0 : index
    %get3A_357 = arith.constant 0 : index
    %get3A_358 = vector.load %arg2[%get3A_354, %get3A_355, %get3A_356, %get3A_357] : memref<1x19x64x512xf32, #tpu.memory_space<vmem>>, vector<1x1x64x512xf32>
    %get3A_359 = vector.shape_cast %get3A_358 : vector<1x1x64x512xf32> to vector<64x512xf32>
    %sub3A_360 = arith.subf %get3A_359, %max3A_134 : vector<64x512xf32>
    %exp3A_361 = math.exp %sub3A_360 : vector<64x512xf32>
    %add3A_362 = arith.addf %add3A_349, %exp3A_361 : vector<64x512xf32>
    %eq3A_363 = arith.constant 17 : i32
    %eq3A_364 = vector.broadcast %eq3A_363 : i32 to vector<64x512xi32>
    %eq3A_365 = arith.cmpi eq, %get3A_3, %eq3A_364 : vector<64x512xi32>
    %select_n3A_366 = arith.select %eq3A_365, %get3A_359, %select_n3A_353 : vector<64x512xi1>, vector<64x512xf32>
    %get3A_367 = arith.constant 0 : index
    %get3A_368 = arith.constant 18 : index
    %get3A_369 = arith.constant 0 : index
    %get3A_370 = arith.constant 0 : index
    %get3A_371 = vector.load %arg2[%get3A_367, %get3A_368, %get3A_369, %get3A_370] : memref<1x19x64x512xf32, #tpu.memory_space<vmem>>, vector<1x1x64x512xf32>
    %get3A_372 = vector.shape_cast %get3A_371 : vector<1x1x64x512xf32> to vector<64x512xf32>
    %sub3A_373 = arith.subf %get3A_372, %max3A_134 : vector<64x512xf32>
    %exp3A_374 = math.exp %sub3A_373 : vector<64x512xf32>
    %add3A_375 = arith.addf %add3A_362, %exp3A_374 : vector<64x512xf32>
    %eq3A_376 = arith.constant 18 : i32
    %eq3A_377 = vector.broadcast %eq3A_376 : i32 to vector<64x512xi32>
    %eq3A_378 = arith.cmpi eq, %get3A_3, %eq3A_377 : vector<64x512xi32>
    %select_n3A_379 = arith.select %eq3A_378, %get3A_372, %select_n3A_366 : vector<64x512xi1>, vector<64x512xf32>
    %log3A = math.log %add3A_375 : vector<64x512xf32>
    %add3A_380 = arith.addf %max3A_134, %log3A : vector<64x512xf32>
    %sub3A_381 = arith.subf %add3A_380, %select_n3A_379 : vector<64x512xf32>
    %eq3A_382 = arith.constant 255 : i32
    %eq3A_383 = vector.broadcast %eq3A_382 : i32 to vector<64x512xi32>
    %eq3A_384 = arith.cmpi eq, %get3A_3, %eq3A_383 : vector<64x512xi32>
    %jit3A = arith.constant 0.000000e+00 : f32
    %broadcast_in_dim3A_385 = vector.broadcast %jit3A : f32 to vector<64x512xf32>
    %select_n3A_386 = arith.select %eq3A_384, %broadcast_in_dim3A_385, %sub3A_381 : vector<64x512xi1>, vector<64x512xf32>
    %swap3A = arith.constant 0 : index
    %swap3A_387 = arith.constant 0 : index
    %swap3A_388 = arith.constant 0 : index
    %swap3A_389 = vector.load %arg4[%swap3A, %swap3A_387, %swap3A_388] : memref<1x64x512xf32, #tpu.memory_space<vmem>>, vector<1x64x512xf32>
    %swap3A_390 = vector.shape_cast %swap3A_389 : vector<1x64x512xf32> to vector<64x512xf32>
    %swap3A_391 = vector.shape_cast %select_n3A_386 : vector<64x512xf32> to vector<1x64x512xf32>
    tpu.vector_store %arg4[%swap3A, %swap3A_387, %swap3A_388], %swap3A_391 {strides = array<i32>} : memref<1x64x512xf32, #tpu.memory_space<vmem>>, vector<1x64x512xf32>,
    return
  }
  func.func @transform_0(%arg0: i32, %arg1: i32) -> (i32, i32, i32, i32) {
    %c0_i32 = arith.constant 0 : i32
    %c0_i32_0 = arith.constant 0 : i32
    %c0_i32_1 = arith.constant 0 : i32
    return %arg0, %c0_i32, %arg1, %c0_i32_0 : i32, i32, i32, i32
  }
  func.func @transform_1(%arg0: i32, %arg1: i32) -> (i32, i32, i32) {
    %c0_i32 = arith.constant 0 : i32
    %c0_i32_0 = arith.constant 0 : i32
    return %arg0, %arg1, %c0_i32 : i32, i32, i32
  }
  func.func @transform_2(%arg0: i32, %arg1: i32) -> (i32, i32, i32) {
    %c0_i32 = arith.constant 0 : i32
    %c0_i32_0 = arith.constant 0 : i32
    return %arg0, %arg1, %c0_i32 : i32, i32, i32
  }
}

</mosaic_0001>

<sc_bundles>
// kernel: branch_0_fun.4.cloned.1.call-start
scs
__scs_entry_jumppad:
0x0: {  	(pc) =	sbr.rel $0x88, $3  }
0x1: {  	(tag) =	ssettag $0x0;
	lr =	simm.s32 $0x1  }
0x2: {  	[smem:$0x3F9F] =	sst lr;
	_ =	strace $0xD0000000  }
0x3: {  	_ = 	snop  }
0x4: {  	_ = 	snop  }
0x5: {  	_ = 	snop  }
0x6: {  	_ = 	snop  }
0x7: {  	_ = 	snop  }
__scs_overlays_trampoline_lowered:
0x8: {  	[smem:$0x3FAE] =	sst s0  }
0x9: {  	[smem:$0x3FAF] =	sst s1  }
0xa: {  	[smem:$0x3FB0] =	sst s2  }
0xb: {  	[smem:$0x3FB1] =	sst s3  }
0xc: {  	[smem:$0x3FB2] =	sst s4  }
0xd: {  	[smem:$0x3FB3] =	sst s5  }
0xe: {  	[smem:$0x3FB4] =	sst s6  }
0xf: {  	[smem:$0x3FB5] =	sst s7  }
0x10: {  	[smem:$0x3FB6] =	sst s8  }
0x11: {  	[smem:$0x3FB7] =	sst s9;
	s0 =	simm.s32 @!p0 $0x0  }
0x12: {  	s1 =	sld [smem:$0x3F9D];
	s0 =	simm.s32 @p0 $0x1  }
0x13: {  	[smem:$0x3FB8] =	sst s0;
	s0 =	simm.s32 @!p1 $0x0  }
0x14: {  	s2 =	sld [smem:$0x3F9C];
	s0 =	simm.s32 @p1 $0x1  }
0x15: {  	[smem:$0x3FB9] =	sst s0;
	s0 =	simm.s32 @!p2 $0x0  }
0x16: {  	s3 =	sld [smem:$0x3FDB];
	s0 =	simm.s32 @p2 $0x1  }
0x17: {  	s4 =	simm.s32 $0x1BF5;
	[smem:$0x3FBB] =	sst s0  }
0x18: {  	s0 =	sld [smem:$0x3F9E];
	_ =	swait.ge [sflag:s4], $0x0  }
0x19: {  	s7 =	sld [smem:$0x3F9F]  }
0x1a: {  	s8 =	sadd.s32 $0xFFFFE003, lr  }
0x1b: {  	s9 =	sadd.s32 $0xFFFFFEF7, lr;
	s5 =	simm.s32 $0xFFFFFFFF;
	p2 =	slt.u32 s8, $0xFFFFF086  }
0x1c: {  	p1 =	slt.u32 s9, $0xF7A;
	s5 =	simm.s32 @!p2 $0x0  }
0x1d: {  	s5 =	simm.s32 @p1 $0x1;
	p0 =	seq.s32 s7, s2  }
0x1e: {  	s7 =	smul.u32 @!p0 $0xF7A, s2;
	p2 =	seq.s32 @!p0 s5, $0x0  }
0x1f: {  	s9 =	smul.u32 $0xF7A, s1;
	s8 =	simm.s32 @!p0 $0x1BF5;
	p2 =	por !p2, p0  }
0x20: {  	[sflag:s8] =	ssyncset.s32 @!p0 $0xFFFFF086;
	s6 =	sadd.s32 @!p0 s3, s7;
	s7 =	simm.s32 @!p0 $0x108  }
0x21: {  	s3 =	sadd.s32 s3, s9;
	s6 =	sadd.s32 @!p0 $0x88, s6;
	s7 =	simm.s32 @p2 $0x1082  }
0x22: {  	[simem:s7], [sflag:s8] =	dma.local @!p0 [hbm:s6], $0xF7A  }
0x23: {  	s9 =	sor.u32 $0xD0000000, s2;
	s6 =	simm.s32 $0x108;
	_ =	swait.ge @!p0 [sflag:s8], $0x0  }
0x24: {  	s3 =	sadd.s32 $0x88, s3;
	s6 =	simm.s32 @!p1 $0x1082;
	[sflag:s4] =	ssyncset.s32 $0xFFFFF086  }
0x25: {  	[simem:s6], [sflag:s4] =	dma.local [hbm:s3], $0xF7A  }
0x26: {  	[smem:$0x3F9F] =	sst s1;
	(tag) =	ssettag s2;
	_ =	strace s9  }
0x27: {  	s1 =	sld [smem:$0x3FAF]  }
0x28: {  	s2 =	sld [smem:$0x3FB0]  }
0x29: {  	s4 =	sld [smem:$0x3FB2]  }
0x2a: {  	p0 =	seq.s32 s5, $0x0;
	s5 =	sld [smem:$0x3FB3]  }
0x2b: {  	s6 =	sld [smem:$0x3FB4]  }
0x2c: {  	s7 =	sld [smem:$0x3FB5]  }
0x2d: {  	s3 =	simm.s32 $0x108;
	s8 =	sld [smem:$0x3FB6]  }
0x2e: {  	s3 =	simm.s32 @!p0 $0x1082;
	s9 =	sld [smem:$0x3FB7]  }
0x2f: {  	lr =	sadd.s32 s0, s3;
	s0 =	sld [smem:$0x3FAE]  }
0x30: {  	s3 =	sld [smem:$0x3FB1]  }
0x31: {  	[smem:$0x3FBA] =	sst s10  }
0x32: {  	s10 =	sld [smem:$0x3FB8];
	_ =	sdelay $0x3  }
0x33: {  	p0 =	seq.s32 s10, $0x1;
	s10 =	sld [smem:$0x3FBA];
	_ =	sdelay $0x3  }
0x34: {  	[smem:$0x3FBA] =	sst s10  }
0x35: {  	s10 =	sld [smem:$0x3FB9];
	_ =	sdelay $0x3  }
0x36: {  	p1 =	seq.s32 s10, $0x1;
	s10 =	sld [smem:$0x3FBA];
	_ =	sdelay $0x3  }
0x37: {  	[smem:$0x3FBA] =	sst s10  }
0x38: {  	s10 =	sld [smem:$0x3FBB]  }
0x39: {  	_ = 	snop;
	(pc) =	sbr.ind lr, $3  }
0x3a: {  	_ = 	snop  }
0x3b: {  	_ = 	snop  }
0x3c: {  	p2 =	seq.s32 s10, $0x1;
	s10 =	sld [smem:$0x3FBA]  }
0x3d: {  	_ =	shalt  }
0x3e: {  	_ =	shalt  }
0x3f: {  	_ =	shalt  }
0x40: {  	_ =	shalt  }
0x41: {  	_ =	shalt  }
0x42: {  	_ =	shalt  }
0x43: {  	_ =	shalt  }
0x44: {  	_ =	shalt  }
0x45: {  	_ =	shalt  }
0x46: {  	_ =	shalt  }
0x47: {  	_ =	shalt  }
0x48: {  	_ =	shalt  }
0x49: {  	_ =	shalt  }
0x4a: {  	_ =	shalt  }
0x4b: {  	_ =	shalt  }
0x4c: {  	_ =	shalt  }
0x4d: {  	_ =	shalt  }
0x4e: {  	_ =	shalt  }
0x4f: {  	_ =	shalt  }
0x50: {  	_ =	shalt  }
0x51: {  	_ =	shalt  }
0x52: {  	_ =	shalt  }
0x53: {  	_ =	shalt  }
0x54: {  	_ =	shalt  }
0x55: {  	_ =	shalt  }
0x56: {  	_ =	shalt  }
0x57: {  	_ =	shalt  }
0x58: {  	_ =	shalt  }
0x59: {  	_ =	shalt  }
0x5a: {  	_ =	shalt  }
0x5b: {  	_ =	shalt  }
0x5c: {  	_ =	shalt  }
0x5d: {  	_ =	shalt  }
0x5e: {  	_ =	shalt  }
0x5f: {  	_ =	shalt  }
0x60: {  	_ =	shalt  }
0x61: {  	_ =	shalt  }
0x62: {  	_ =	shalt  }
0x63: {  	_ =	shalt  }
0x64: {  	_ =	shalt  }
0x65: {  	_ =	shalt  }
0x66: {  	_ =	shalt  }
0x67: {  	_ =	shalt  }
0x68: {  	_ =	shalt  }
0x69: {  	_ =	shalt  }
0x6a: {  	_ =	shalt  }
0x6b: {  	_ =	shalt  }
0x6c: {  	_ =	shalt  }
0x6d: {  	_ =	shalt  }
0x6e: {  	_ =	shalt  }
0x6f: {  	_ =	shalt  }
0x70: {  	_ =	shalt  }
0x71: {  	_ =	shalt  }
0x72: {  	_ =	shalt  }
0x73: {  	_ =	shalt  }
0x74: {  	_ =	shalt  }
0x75: {  	_ =	shalt  }
0x76: {  	_ =	shalt  }
0x77: {  	_ =	shalt  }
0x78: {  	_ =	shalt  }
0x79: {  	_ =	shalt  }
0x7a: {  	_ =	shalt  }
0x7b: {  	_ =	shalt  }
0x7c: {  	_ =	shalt  }
0x7d: {  	_ =	shalt  }
0x7e: {  	_ =	shalt  }
0x7f: {  	_ =	shalt  }
0x80: {  	_ =	shalt  }
0x81: {  	_ =	shalt  }
0x82: {  	_ =	shalt  }
0x83: {  	_ =	shalt  }
0x84: {  	_ =	shalt  }
0x85: {  	_ =	shalt  }
0x86: {  	_ =	shalt  }
0x87: {  	_ =	shalt  }
.Lfunc_end0:
.L_simem_size_0:
called_computation.1_lowered:
.L_overlay_start_0:
0x88: {  	s2 =	sld [smem:$0x3FD9]  }
0x89: {  	s3 =	sld [smem:$0x3FFE];
	_ =	sdelay $0x1  }
0x8a: {  	s1 =	srdreg.scid  }
0x8b: {  	s0 =	sand.u32 $0x1, s1  }
0x8c: {  	s17 =	sshll.u32 s0, $0xA;
	s2 =	sadd.s32 s3, s2  }
0x8d: {  	s2 =	sadd.s32 s2, s17  }
0x8e: {  	[smem:$0x3FC6] =	sst s2  }
0x8f: {  	_ = 	snop  }
0x90: {  	s2 =	sld [smem:$0x3FD0];
	(tm) =	ssettm $0x1  }
0x91: {  	s18 =	sld [smem:$0x3FFB];
	_ =	sdelay $0x3  }
0x92: {  	_ =	strace s18  }
0x93: {  	s3 =	sld [smem:$0x3FFC];
	_ =	sdelay $0x3  }
0x94: {  	_ =	strace s3  }
0x95: {  	s3 =	sld [smem:$0x3FFD];
	_ =	sdelay $0x3  }
0x96: {  	_ =	strace s3  }
0x97: {  	_ =	strace $0x8FFFFFFF  }
0x98: {  	s19 =	sld [smem:$0x3FDB];
	_ =	sdelay $0x1  }
0x99: {  	s4 =	simm.s32 $_scs_section_size  }
0x9a: {  	s5 =	simm.s32 $_size__tile_overlayer_lowered;
	s6 =	simm.s32 $_tile_overlayer_lowered  }
0x9b: {  	s22 =	simm.s32 $0x1BFF;
	s21 =	sshll.u32 s6, $0x1;
	s3 =	sadd.s32 s4, s19  }
0x9c: {  	s7 =	simm.s32 $0x0;
	s20 =	sshll.u32 s5, $0x1;
	s5 =	sadd.s32 s21, s3  }
0x9d: {  	[timem:s7], [sflag:s22] =	dma.local [hbm:s5], s20  }
0x9e: {  	_ =	swait.ge [sflag:s22], s20  }
0x9f: {  	s4 =	ssub.s32 $0x0, s20;
	[sflag:s22] =	ssyncset.done $0x0  }
0xa0: {  	[sflag:s22] =	ssyncadd.s32 s4;
	_ =	sdelay $0x1  }
0xa1: {  	s23 =	simm.s32 $0x1B8B  }
0xa2: {  	_ =	swait.ge [sflag:s23], $0x1  }
0xa3: {  	[sflag:s23] =	ssyncset.done $0x0  }
0xa4: {  	s25 =	simm.s32 $0x1B8E;
	s24 =	sld [smem:$0x3FFE];
	[sflag:s23] =	ssyncadd.s32 $0xFFFFFFFF  }
0xa5: {  	s26 =	simm.s32 $execute0_lowered;
	[smem:$0x3FD2] =	sst s25  }
0xa6: {  	s5 =	sshll.u32 s26, $0x1;
	_ =	strace $0x80000046;
	[dreg:$0x1] =	wrdreg $0xFFFFFFFF  }
0xa7: {  	s28 =	simm.s32 $_size_execute0_lowered;
	s3 =	sadd.s32 s3, s5;
	[dreg:$0x0] =	wrdreg $0x0  }
0xa8: {  	s5 =	sshll.u32 s28, $0x1;
	[dreg:$0x2] =	wrdreg s3  }
0xa9: {  	[dreg:$0x3] =	wrdreg s5  }
0xaa: {  	[dreg:$0x4] =	wrdreg $0xC0  }
0xab: {  	_ =	task [dreg:s7], $0x5FFFF  }
0xac: {  	[dreg:$0x1] =	wrdreg $0xFFFFFFFF  }
0xad: {  	[dreg:$0x0] =	wrdreg $0x60  }
0xae: {  	[dreg:$0x2] =	wrdreg s24  }
0xaf: {  	[dreg:$0x3] =	wrdreg s2  }
0xb0: {  	[dreg:$0x4] =	wrdreg $0x9  }
0xb1: {  	_ =	task.clear_ibuf [dreg:s7], $0x5FFFF;
	_ =	strace $0x90000046  }
0xb2: {  	s29 =	simm.s32 $0x9;
	_ =	strace $0x80000048  }
0xb3: {  	_ =	swait.ge [sflag:s29], $0x1  }
0xb4: {  	[sflag:s29] =	ssyncadd.s32 $0xFFFFFFFF  }
0xb5: {  	_ =	strace $0x90000048  }
0xb6: {  	_ =	sfence  }
0xb7: {  	s30 =	sld [smem:$0x0];
	_ =	sdelay $0x2  }
0xb8: {  	s31 =	sshll.u32 s1, $0xD;
	s1 =	sshrl.u32 s1, $0x2  }
0xb9: {  	s3 =	sand.u32 $0x4000, s31;
	s1 =	sadd.s32 s1, s30  }
0xba: {  	s0 =	sor.u32 s3, s0;
	s1 =	sshll.u32 s1, $0x11  }
0xbb: {  	s0 =	sor.u32 s1, s0  }
0xbc: {  	s0 =	sadd.s32 $0x8F2B, s0  }
0xbd: {  	[sflag:s0] =	ssyncadd.remote.s32 $0x1  }
0xbe: {  	_ =	sfence.sel $0xFFFF  }
0xbf: {  	[dreg:$0x0] =	wrdreg $0xFFFFFFFF;
	(pc) =	sbr.abs _section_cstart, $3  }
0xc0: {  	[dreg:$0x1] =	wrdreg $0xFFFFFFFF  }
0xc1: {  	_ =	task.clear_ibuf [dreg:s7], $0x2FFFF;
	_ =	strace $0x9FFFFFFF  }
0xc2: {  	(tm) =	ssettm $0x7FFFFFFF  }
0xc3: {  	_ =	shalt  }
tec
execute0_lowered:
.L_overlay_start_1:
0x0: {  	(tag) =	ssettag $0x1  }
0x1: {  	s4 =	rddreg [dreg:$0x0]  }
0x2: {  	s2 =	rddreg [dreg:$0x1]  }
0x3: {  	s0 =	rddreg [dreg:$0x2];
	s5 =	srdreg.scid  }
0x4: {  	s1 =	stileid.u32;
	s3 =	simm.s32 $0x0;
	s9 =	simm.s32 $0x10000  }
0x5: {  	s5 =	sand.u32 $0x1, s5;
	s6 =	sshll.u32 s1, $0x1;
	[smem:$0x7FF] =	sst s3  }
0x6: {  	s10 =	simm.s32 $0x0;
	s6 =	sor.u32 s5, s6;
	_ =	strace $0x80000047  }
0x7: {  	s5 =	ssub.s32 $0x2, s5;
	s7 =	sshll.u32 s6, $0xD;
	s6 =	sshll.u32 s6, $0x4  }
0x8: {  	s8 =	sshrl.u32 s5, $0x1;
	s7 =	sadd.s32 s7, s4;
	s6 =	sadd.s32 s6, s4  }
0x9: {  	s8 =	ssub.s32 s5, s8;
	s4 =	sadd.s32 $0xC00, s7;
	s5 =	sadd.s32 $0x41200, s6  }
0xa: {  	v0 =	vimm.f32 $0.0e+00;
	s6 =	sadd.s32 $0x41400, s6;
	s7 =	smax.u32 s8, $0x1;
	s8 =	simm.s32 $0x1  }
.LBB2_1:
0xb: {  	[tilespmem:s3], [sflag:$0x1] =	stream.linear.gather [hbm4b:s4+s3], $0x10000, $0x38;
	[tilespmem:$0x10080] =	vst v63  }
0xc: {  	_ =	swait.ge [sflag:s8], $0x10000  }
0xd: {  	[sflag:s8] =	ssyncset.done $0x0  }
0xe: {  	[sflag:s8] =	ssyncadd.s32 $0xFFFF0000  }
0xf: {  	[tilespmem:s9], [sflag:$0x1] =	stream.linear.gather [hbm4b:s2+s3], $0x80, $0x38;
	[tilespmem:$0x10080] =	vst v63  }
0x10: {  	_ =	swait.ge [sflag:s8], $0x80  }
0x11: {  	[sflag:s8] =	ssyncset.done $0x0  }
0x12: {  	[sflag:s8] =	ssyncadd.s32 $0xFFFFFF80  }
0x13: {  	s12 =	simm.s32 $0x0;
	v3 =	vld [tilespmem:$0x10000]  }
0x14: {  	s11 =	simm.s32 $0x40;
	v4 =	vimm.f32 $0.0e+00;
	v1 =	vimm.f32 $0.0e+00;
	v2 =	vld [tilespmem:s12+$0x0]  }
.LBB2_2:
0x15: {  	_ =	sdelay $0x1  }
0x16: {  	p0 =	sne.s32 s11, $0x3FFC0  }
.Ltmp0:
0x17: {  	_ = 	snop;
	(pc) =	sbr.rel @p0 .LBB2_2-.Ltmp0, $4  }
0x18: {  	vm0 =	vle.f32 v2, $3.566749390e-01;
	vm1 =	vgt.f32 v2, v3  }
0x19: {  	v5 =	vmov v2;
	vm0 =	vmand vm0, vm1  }
0x1a: {  	s12 =	sshra.s32 s11, $0x2;
	v6 =	vsel vm0, $0x3F800000, v0;
	v5 =	vnsel vm0, $0x0, v5  }
0x1b: {  	s11 =	sadd.s32 $0x40, s11;
	v2 =	vld [tilespmem:s12+$0x0];
	v4 =	vadd.f32 v6, v4;
	v1 =	vadd.f32 v5, v1  }
0x1c: {  	_ =	sdelay $0x3  }
0x1d: {  	vm0 =	vle.f32 v2, $3.566749390e-01;
	vm1 =	vgt.f32 v2, v3  }
0x1e: {  	vm0 =	vmand vm0, vm1  }
0x1f: {  	v3 =	vsel vm0, $0x3F800000, v0  }
0x20: {  	v3 =	vadd.f32 v3, v4;
	_ =	sdelay $0x1  }
0x21: {  	[tilespmem:$0x10000] =	vst v3  }
0x22: {  	[hbm4b:s5+s3] =	stream.linear.scatter [tilespmem:s9], [sflag:$0x1], $0x80, $0x38;
	[tilespmem:$0x10080] =	vst v63  }
0x23: {  	v2 =	vnsel vm0, $0x0, v2;
	_ =	swait.ge [sflag:s8], $0x80  }
0x24: {  	s10 =	sadd.s32 $0x1, s10;
	v1 =	vadd.f32 v2, v1;
	[sflag:s8] =	ssyncset.done $0x0  }
0x25: {  	p0 =	sne.s32 s10, s7;
	[sflag:s8] =	ssyncadd.s32 $0xFFFFFF80  }
.Ltmp1:
0x26: {  	[tilespmem:$0x10000] =	vst v1;
	(pc) =	sbr.rel @p0 .LBB2_1-.Ltmp1, $4  }
0x27: {  	[hbm4b:s6+s3] =	stream.linear.scatter [tilespmem:s9], [sflag:$0x1], $0x80, $0x38;
	[tilespmem:$0x10080] =	vst v63  }
0x28: {  	_ =	swait.ge [sflag:s8], $0x80  }
0x29: {  	[sflag:s8] =	ssyncset.done $0x0  }
0x2a: {  	[sflag:s8] =	ssyncadd.s32 $0xFFFFFF80  }
0x2b: {  	_ =	sfence.sel $0x180000  }
0x2c: {  	[bflag:$0x0] =	sbarrier.arrive $0xFFFF  }
0x2d: {  	p0 =	sne.s32 s1, $0x0;
	_ =	strace $0x90000047  }
0x2e: {  	s0 =	sadd.s32 @!p0 $0x100000, s0;
	[bflag:$0x2] =	sbarrier.arrive $0xFFFF  }
0x2f: {  	[sflag:s0] =	ssyncadd.tile.s32 @!p0 $0x1;
	_ =	shalt  }
.Lfunc_end2:
_tile_overlayer_lowered:
.L_overlay_start_2:
0x30: {  	(tag) =	ssettag $0x2  }
0x31: {  	s0 =	rddreg [dreg:$0x0];
	s2 =	stileid.u32  }
0x32: {  	s1 =	rddreg [dreg:$0x1];
	p0 =	sne.s32 s2, $0x0  }
0x33: {  	s3 =	rddreg [dreg:$0x2];
	[bflag:$0x3] =	sbarrier.arrive $0xFFFF;
	s2 =	simm.s32 @!p0 $0x1C01  }
0x34: {  	[timem:s3], [sflag:s2] =	dma.local @!p0 [hbm:s0], s1  }
0x35: {  	s0 =	simm.s32 @!p0 $0x1  }
0x36: {  	_ =	swait.ge @!p0 [sflag:s0], s1  }
0x37: {  	s1 =	ssub.s32 @!p0 $0x0, s1;
	[sflag:s0] =	ssyncset.done @!p0 $0x0  }
0x38: {  	[sflag:s0] =	ssyncadd.s32 @!p0 s1  }
0x39: {  	[bflag:$0x3] =	sbarrier.arrive $0xFFFF  }
0x3a: {  	_ =	shalt  }

// kernel: closed_call.12.cloned.1.call-start
scs
__scs_entry_jumppad:
0x0: {  	(pc) =	sbr.rel $0x88, $3  }
0x1: {  	(tag) =	ssettag $0x0;
	lr =	simm.s32 $0x1  }
0x2: {  	[smem:$0x3F9F] =	sst lr;
	_ =	strace $0xD0000000  }
0x3: {  	_ = 	snop  }
0x4: {  	_ = 	snop  }
0x5: {  	_ = 	snop  }
0x6: {  	_ = 	snop  }
0x7: {  	_ = 	snop  }
__scs_overlays_trampoline_lowered:
0x8: {  	[smem:$0x3FAE] =	sst s0  }
0x9: {  	[smem:$0x3FAF] =	sst s1  }
0xa: {  	[smem:$0x3FB0] =	sst s2  }
0xb: {  	[smem:$0x3FB1] =	sst s3  }
0xc: {  	[smem:$0x3FB2] =	sst s4  }
0xd: {  	[smem:$0x3FB3] =	sst s5  }
0xe: {  	[smem:$0x3FB4] =	sst s6  }
0xf: {  	[smem:$0x3FB5] =	sst s7  }
0x10: {  	[smem:$0x3FB6] =	sst s8  }
0x11: {  	[smem:$0x3FB7] =	sst s9;
	s0 =	simm.s32 @!p0 $0x0  }
0x12: {  	s1 =	sld [smem:$0x3F9D];
	s0 =	simm.s32 @p0 $0x1  }
0x13: {  	[smem:$0x3FB8] =	sst s0;
	s0 =	simm.s32 @!p1 $0x0  }
0x14: {  	s2 =	sld [smem:$0x3F9C];
	s0 =	simm.s32 @p1 $0x1  }
0x15: {  	[smem:$0x3FB9] =	sst s0;
	s0 =	simm.s32 @!p2 $0x0  }
0x16: {  	s3 =	sld [smem:$0x3FDB];
	s0 =	simm.s32 @p2 $0x1  }
0x17: {  	s4 =	simm.s32 $0x1BF5;
	[smem:$0x3FBB] =	sst s0  }
0x18: {  	s0 =	sld [smem:$0x3F9E];
	_ =	swait.ge [sflag:s4], $0x0  }
0x19: {  	s7 =	sld [smem:$0x3F9F]  }
0x1a: {  	s8 =	sadd.s32 $0xFFFFE003, lr  }
0x1b: {  	s9 =	sadd.s32 $0xFFFFFEF7, lr;
	s5 =	simm.s32 $0xFFFFFFFF;
	p2 =	slt.u32 s8, $0xFFFFF086  }
0x1c: {  	p1 =	slt.u32 s9, $0xF7A;
	s5 =	simm.s32 @!p2 $0x0  }
0x1d: {  	s5 =	simm.s32 @p1 $0x1;
	p0 =	seq.s32 s7, s2  }
0x1e: {  	s7 =	smul.u32 @!p0 $0xF7A, s2;
	p2 =	seq.s32 @!p0 s5, $0x0  }
0x1f: {  	s9 =	smul.u32 $0xF7A, s1;
	s8 =	simm.s32 @!p0 $0x1BF5;
	p2 =	por !p2, p0  }
0x20: {  	[sflag:s8] =	ssyncset.s32 @!p0 $0xFFFFF086;
	s6 =	sadd.s32 @!p0 s3, s7;
	s7 =	simm.s32 @!p0 $0x108  }
0x21: {  	s3 =	sadd.s32 s3, s9;
	s6 =	sadd.s32 @!p0 $0x88, s6;
	s7 =	simm.s32 @p2 $0x1082  }
0x22: {  	[simem:s7], [sflag:s8] =	dma.local @!p0 [hbm:s6], $0xF7A  }
0x23: {  	s9 =	sor.u32 $0xD0000000, s2;
	s6 =	simm.s32 $0x108;
	_ =	swait.ge @!p0 [sflag:s8], $0x0  }
0x24: {  	s3 =	sadd.s32 $0x88, s3;
	s6 =	simm.s32 @!p1 $0x1082;
	[sflag:s4] =	ssyncset.s32 $0xFFFFF086  }
0x25: {  	[simem:s6], [sflag:s4] =	dma.local [hbm:s3], $0xF7A  }
0x26: {  	[smem:$0x3F9F] =	sst s1;
	(tag) =	ssettag s2;
	_ =	strace s9  }
0x27: {  	s1 =	sld [smem:$0x3FAF]  }
0x28: {  	s2 =	sld [smem:$0x3FB0]  }
0x29: {  	s4 =	sld [smem:$0x3FB2]  }
0x2a: {  	p0 =	seq.s32 s5, $0x0;
	s5 =	sld [smem:$0x3FB3]  }
0x2b: {  	s6 =	sld [smem:$0x3FB4]  }
0x2c: {  	s7 =	sld [smem:$0x3FB5]  }
0x2d: {  	s3 =	simm.s32 $0x108;
	s8 =	sld [smem:$0x3FB6]  }
0x2e: {  	s3 =	simm.s32 @!p0 $0x1082;
	s9 =	sld [smem:$0x3FB7]  }
0x2f: {  	lr =	sadd.s32 s0, s3;
	s0 =	sld [smem:$0x3FAE]  }
0x30: {  	s3 =	sld [smem:$0x3FB1]  }
0x31: {  	[smem:$0x3FBA] =	sst s10  }
0x32: {  	s10 =	sld [smem:$0x3FB8];
	_ =	sdelay $0x3  }
0x33: {  	p0 =	seq.s32 s10, $0x1;
	s10 =	sld [smem:$0x3FBA];
	_ =	sdelay $0x3  }
0x34: {  	[smem:$0x3FBA] =	sst s10  }
0x35: {  	s10 =	sld [smem:$0x3FB9];
	_ =	sdelay $0x3  }
0x36: {  	p1 =	seq.s32 s10, $0x1;
	s10 =	sld [smem:$0x3FBA];
	_ =	sdelay $0x3  }
0x37: {  	[smem:$0x3FBA] =	sst s10  }
0x38: {  	s10 =	sld [smem:$0x3FBB]  }
0x39: {  	_ = 	snop;
	(pc) =	sbr.ind lr, $3  }
0x3a: {  	_ = 	snop  }
0x3b: {  	_ = 	snop  }
0x3c: {  	p2 =	seq.s32 s10, $0x1;
	s10 =	sld [smem:$0x3FBA]  }
0x3d: {  	_ =	shalt  }
0x3e: {  	_ =	shalt  }
0x3f: {  	_ =	shalt  }
0x40: {  	_ =	shalt  }
0x41: {  	_ =	shalt  }
0x42: {  	_ =	shalt  }
0x43: {  	_ =	shalt  }
0x44: {  	_ =	shalt  }
0x45: {  	_ =	shalt  }
0x46: {  	_ =	shalt  }
0x47: {  	_ =	shalt  }
0x48: {  	_ =	shalt  }
0x49: {  	_ =	shalt  }
0x4a: {  	_ =	shalt  }
0x4b: {  	_ =	shalt  }
0x4c: {  	_ =	shalt  }
0x4d: {  	_ =	shalt  }
0x4e: {  	_ =	shalt  }
0x4f: {  	_ =	shalt  }
0x50: {  	_ =	shalt  }
0x51: {  	_ =	shalt  }
0x52: {  	_ =	shalt  }
0x53: {  	_ =	shalt  }
0x54: {  	_ =	shalt  }
0x55: {  	_ =	shalt  }
0x56: {  	_ =	shalt  }
0x57: {  	_ =	shalt  }
0x58: {  	_ =	shalt  }
0x59: {  	_ =	shalt  }
0x5a: {  	_ =	shalt  }
0x5b: {  	_ =	shalt  }
0x5c: {  	_ =	shalt  }
0x5d: {  	_ =	shalt  }
0x5e: {  	_ =	shalt  }
0x5f: {  	_ =	shalt  }
0x60: {  	_ =	shalt  }
0x61: {  	_ =	shalt  }
0x62: {  	_ =	shalt  }
0x63: {  	_ =	shalt  }
0x64: {  	_ =	shalt  }
0x65: {  	_ =	shalt  }
0x66: {  	_ =	shalt  }
0x67: {  	_ =	shalt  }
0x68: {  	_ =	shalt  }
0x69: {  	_ =	shalt  }
0x6a: {  	_ =	shalt  }
0x6b: {  	_ =	shalt  }
0x6c: {  	_ =	shalt  }
0x6d: {  	_ =	shalt  }
0x6e: {  	_ =	shalt  }
0x6f: {  	_ =	shalt  }
0x70: {  	_ =	shalt  }
0x71: {  	_ =	shalt  }
0x72: {  	_ =	shalt  }
0x73: {  	_ =	shalt  }
0x74: {  	_ =	shalt  }
0x75: {  	_ =	shalt  }
0x76: {  	_ =	shalt  }
0x77: {  	_ =	shalt  }
0x78: {  	_ =	shalt  }
0x79: {  	_ =	shalt  }
0x7a: {  	_ =	shalt  }
0x7b: {  	_ =	shalt  }
0x7c: {  	_ =	shalt  }
0x7d: {  	_ =	shalt  }
0x7e: {  	_ =	shalt  }
0x7f: {  	_ =	shalt  }
0x80: {  	_ =	shalt  }
0x81: {  	_ =	shalt  }
0x82: {  	_ =	shalt  }
0x83: {  	_ =	shalt  }
0x84: {  	_ =	shalt  }
0x85: {  	_ =	shalt  }
0x86: {  	_ =	shalt  }
0x87: {  	_ =	shalt  }
.Lfunc_end0:
.L_simem_size_0:
called_computation_lowered:
.L_overlay_start_0:
0x88: {  	s2 =	sld [smem:$0x3FD9]  }
0x89: {  	s3 =	sld [smem:$0x3FFE];
	_ =	sdelay $0x1  }
0x8a: {  	s1 =	srdreg.scid  }
0x8b: {  	s0 =	sand.u32 $0x1, s1  }
0x8c: {  	s16 =	sshll.u32 s0, $0xA;
	s2 =	sadd.s32 s3, s2  }
0x8d: {  	s2 =	sadd.s32 s2, s16  }
0x8e: {  	[smem:$0x3FC6] =	sst s2  }
0x8f: {  	_ = 	snop  }
0x90: {  	(tm) =	ssettm $0x1  }
0x91: {  	s17 =	sld [smem:$0x3FFB];
	_ =	sdelay $0x3  }
0x92: {  	_ =	strace s17  }
0x93: {  	s2 =	sld [smem:$0x3FFC];
	_ =	sdelay $0x3  }
0x94: {  	_ =	strace s2  }
0x95: {  	s2 =	sld [smem:$0x3FFD];
	_ =	sdelay $0x3  }
0x96: {  	_ =	strace s2  }
0x97: {  	_ =	strace $0x8FFFFFFF  }
0x98: {  	s18 =	sld [smem:$0x3FDB];
	_ =	sdelay $0x1  }
0x99: {  	s19 =	simm.s32 $_scs_section_size  }
0x9a: {  	s4 =	simm.s32 $_size__tile_overlayer_lowered;
	s5 =	simm.s32 $_tile_overlayer_lowered  }
0x9b: {  	s22 =	simm.s32 $0x1BFF;
	s21 =	sshll.u32 s5, $0x1;
	s2 =	sadd.s32 s19, s18  }
0x9c: {  	s6 =	simm.s32 $0x0;
	s20 =	sshll.u32 s4, $0x1;
	s4 =	sadd.s32 s21, s2  }
0x9d: {  	[timem:s6], [sflag:s22] =	dma.local [hbm:s4], s20  }
0x9e: {  	_ =	swait.ge [sflag:s22], s20  }
0x9f: {  	s3 =	ssub.s32 $0x0, s20;
	[sflag:s22] =	ssyncset.done $0x0  }
0xa0: {  	[sflag:s22] =	ssyncadd.s32 s3;
	_ =	sdelay $0x1  }
0xa1: {  	s23 =	simm.s32 $0x1B8B  }
0xa2: {  	_ =	swait.ge [sflag:s23], $0x1  }
0xa3: {  	[sflag:s23] =	ssyncset.done $0x0  }
0xa4: {  	s25 =	simm.s32 $0x1B8E;
	s24 =	sld [smem:$0x3FFE];
	[sflag:s23] =	ssyncadd.s32 $0xFFFFFFFF  }
0xa5: {  	s26 =	simm.s32 $execute0_lowered;
	[smem:$0x3FD2] =	sst s25  }
0xa6: {  	s4 =	sshll.u32 s26, $0x1;
	_ =	strace $0x80000049;
	[dreg:$0x1] =	wrdreg $0xFFFFFFFF  }
0xa7: {  	s28 =	simm.s32 $_size_execute0_lowered;
	s2 =	sadd.s32 s2, s4;
	[dreg:$0x0] =	wrdreg $0x0  }
0xa8: {  	s4 =	sshll.u32 s28, $0x1;
	[dreg:$0x2] =	wrdreg s2  }
0xa9: {  	[dreg:$0x3] =	wrdreg s4  }
0xaa: {  	[dreg:$0x4] =	wrdreg $0xC0  }
0xab: {  	_ =	task [dreg:s6], $0x5FFFF  }
0xac: {  	[dreg:$0x1] =	wrdreg $0xFFFFFFFF  }
0xad: {  	[dreg:$0x0] =	wrdreg $0x60  }
0xae: {  	[dreg:$0x2] =	wrdreg s24  }
0xaf: {  	[dreg:$0x3] =	wrdreg $0x9  }
0xb0: {  	_ =	task.clear_ibuf [dreg:s6], $0x4FFFF;
	_ =	strace $0x90000049  }
0xb1: {  	s29 =	simm.s32 $0x9;
	_ =	strace $0x8000004B  }
0xb2: {  	_ =	swait.ge [sflag:s29], $0x1  }
0xb3: {  	[sflag:s29] =	ssyncadd.s32 $0xFFFFFFFF  }
0xb4: {  	_ =	strace $0x9000004B  }
0xb5: {  	_ =	sfence  }
0xb6: {  	s30 =	sld [smem:$0x0];
	_ =	sdelay $0x2  }
0xb7: {  	s31 =	sshll.u32 s1, $0xD;
	s1 =	sshrl.u32 s1, $0x2  }
0xb8: {  	s3 =	sand.u32 $0x4000, s31;
	s1 =	sadd.s32 s1, s30  }
0xb9: {  	s0 =	sor.u32 s3, s0;
	s1 =	sshll.u32 s1, $0x11  }
0xba: {  	s0 =	sor.u32 s1, s0  }
0xbb: {  	s0 =	sadd.s32 $0x8F2B, s0  }
0xbc: {  	[sflag:s0] =	ssyncadd.remote.s32 $0x1  }
0xbd: {  	_ =	sfence.sel $0xFFFF  }
0xbe: {  	[dreg:$0x0] =	wrdreg $0xFFFFFFFF;
	(pc) =	sbr.abs _section_cstart, $3  }
0xbf: {  	[dreg:$0x1] =	wrdreg $0xFFFFFFFF  }
0xc0: {  	_ =	task.clear_ibuf [dreg:s6], $0x2FFFF;
	_ =	strace $0x9FFFFFFF  }
0xc1: {  	(tm) =	ssettm $0x7FFFFFFF  }
tec
execute0_lowered:
.L_overlay_start_1:
0x0: {  	(tag) =	ssettag $0x1  }
0x1: {  	s1 =	srdreg.scid  }
0x2: {  	s0 =	stileid.u32;
	s4 =	rddreg [dreg:$0x0];
	s2 =	simm.s32 $0x0  }
0x3: {  	s3 =	sand.u32 $0x1, s1;
	s5 =	sshll.u32 s0, $0x1;
	s1 =	rddreg [dreg:$0x1]  }
0x4: {  	s10 =	simm.s32 $0x0;
	[smem:$0x7FF] =	sst s2;
	s5 =	sor.u32 s3, s5  }
0x5: {  	_ =	strace $0x8000004A;
	s7 =	ssub.s32 $0x2, s3;
	s3 =	sadd.s32 $0x41200, s4  }
0x6: {  	s6 =	sshll.u32 s5, $0xD;
	s5 =	sshll.u32 s5, $0x4;
	s8 =	sshrl.u32 s7, $0x1  }
0x7: {  	s6 =	sadd.s32 s6, s4;
	s9 =	sadd.s32 s5, s4;
	s7 =	ssub.s32 s7, s8  }
0x8: {  	s8 =	simm.s32 $0x1;
	s4 =	sadd.s32 $0xC00, s6;
	s5 =	sadd.s32 $0x41400, s9  }
0x9: {  	v0 =	vimm.f32 $0.0e+00;
	s6 =	sadd.s32 $0x41600, s9;
	s7 =	smax.u32 s7, $0x1;
	s9 =	simm.s32 $0x10000  }
.LBB2_1:
0xa: {  	[tilespmem:s2], [sflag:$0x1] =	stream.linear.gather [hbm4b:s4+s2], $0x10000, $0x38;
	[tilespmem:$0x10080] =	vst v63  }
0xb: {  	_ =	swait.ge [sflag:s8], $0x10000  }
0xc: {  	[sflag:s8] =	ssyncset.done $0x0  }
0xd: {  	[sflag:s8] =	ssyncadd.s32 $0xFFFF0000  }
0xe: {  	[tilespmem:s9], [sflag:$0x1] =	stream.linear.gather [hbm4b:s3+s2], $0x80, $0x38;
	[tilespmem:$0x10080] =	vst v63  }
0xf: {  	_ =	swait.ge [sflag:s8], $0x80  }
0x10: {  	[sflag:s8] =	ssyncset.done $0x0  }
0x11: {  	[sflag:s8] =	ssyncadd.s32 $0xFFFFFF80  }
0x12: {  	s12 =	simm.s32 $0x0;
	v3 =	vld [tilespmem:$0x10000]  }
0x13: {  	s11 =	simm.s32 $0x40;
	v4 =	vimm.f32 $0.0e+00;
	v1 =	vimm.f32 $0.0e+00;
	v2 =	vld [tilespmem:s12+$0x0]  }
.LBB2_2:
0x14: {  	_ =	sdelay $0x1  }
0x15: {  	p0 =	sne.s32 s11, $0x3FFC0  }
.Ltmp0:
0x16: {  	_ = 	snop;
	(pc) =	sbr.rel @p0 .LBB2_2-.Ltmp0, $4  }
0x17: {  	vm0 =	vle.f32 v2, $3.566749390e-01;
	vm1 =	vgt.f32 v2, v3  }
0x18: {  	v5 =	vmov v2;
	vm0 =	vmand vm0, vm1  }
0x19: {  	s12 =	sshra.s32 s11, $0x2;
	v6 =	vsel vm0, $0x3F800000, v0;
	v5 =	vnsel vm0, $0x0, v5  }
0x1a: {  	s11 =	sadd.s32 $0x40, s11;
	v2 =	vld [tilespmem:s12+$0x0];
	v4 =	vadd.f32 v6, v4;
	v1 =	vadd.f32 v5, v1  }
0x1b: {  	_ =	sdelay $0x3  }
0x1c: {  	vm0 =	vle.f32 v2, $3.566749390e-01;
	vm1 =	vgt.f32 v2, v3  }
0x1d: {  	vm0 =	vmand vm0, vm1  }
0x1e: {  	v3 =	vsel vm0, $0x3F800000, v0  }
0x1f: {  	v3 =	vadd.f32 v3, v4;
	_ =	sdelay $0x1  }
0x20: {  	[tilespmem:$0x10000] =	vst v3  }
0x21: {  	[hbm4b:s5+s2] =	stream.linear.scatter [tilespmem:s9], [sflag:$0x1], $0x80, $0x38;
	[tilespmem:$0x10080] =	vst v63  }
0x22: {  	v2 =	vnsel vm0, $0x0, v2;
	_ =	swait.ge [sflag:s8], $0x80  }
0x23: {  	s10 =	sadd.s32 $0x1, s10;
	v1 =	vadd.f32 v2, v1;
	[sflag:s8] =	ssyncset.done $0x0  }
0x24: {  	p0 =	sne.s32 s10, s7;
	[sflag:s8] =	ssyncadd.s32 $0xFFFFFF80  }
.Ltmp1:
0x25: {  	[tilespmem:$0x10000] =	vst v1;
	(pc) =	sbr.rel @p0 .LBB2_1-.Ltmp1, $4  }
0x26: {  	[hbm4b:s6+s2] =	stream.linear.scatter [tilespmem:s9], [sflag:$0x1], $0x80, $0x38;
	[tilespmem:$0x10080] =	vst v63  }
0x27: {  	_ =	swait.ge [sflag:s8], $0x80  }
0x28: {  	[sflag:s8] =	ssyncset.done $0x0  }
0x29: {  	[sflag:s8] =	ssyncadd.s32 $0xFFFFFF80  }
0x2a: {  	_ =	sfence.sel $0x180000  }
0x2b: {  	[bflag:$0x0] =	sbarrier.arrive $0xFFFF  }
0x2c: {  	p0 =	sne.s32 s0, $0x0;
	_ =	strace $0x9000004A  }
0x2d: {  	s0 =	sadd.s32 @!p0 $0x100000, s1;
	[bflag:$0x2] =	sbarrier.arrive $0xFFFF  }
0x2e: {  	[sflag:s0] =	ssyncadd.tile.s32 @!p0 $0x1;
	_ =	shalt  }
.Lfunc_end2:
_tile_overlayer_lowered:
.L_overlay_start_2:
0x2f: {  	(tag) =	ssettag $0x2  }
0x30: {  	s0 =	rddreg [dreg:$0x0];
	s2 =	stileid.u32  }
0x31: {  	s1 =	rddreg [dreg:$0x1];
	p0 =	sne.s32 s2, $0x0  }
0x32: {  	s3 =	rddreg [dreg:$0x2];
	[bflag:$0x3] =	sbarrier.arrive $0xFFFF;
	s2 =	simm.s32 @!p0 $0x1C01  }
0x33: {  	[timem:s3], [sflag:s2] =	dma.local @!p0 [hbm:s0], s1  }
0x34: {  	s0 =	simm.s32 @!p0 $0x1  }
0x35: {  	_ =	swait.ge @!p0 [sflag:s0], s1  }
0x36: {  	s1 =	ssub.s32 @!p0 $0x0, s1;
	[sflag:s0] =	ssyncset.done @!p0 $0x0  }
0x37: {  	[sflag:s0] =	ssyncadd.s32 @!p0 s1  }
0x38: {  	[bflag:$0x3] =	sbarrier.arrive $0xFFFF  }
0x39: {  	_ =	shalt  }

</sc_bundles>
